<compile_context>
chip_gen: v7x
topology: tpu7x:2x2x1
jax: 0.10.2.dev20260603
libtpu: 0.0.44.dev20260713+nightly
codegen_flags: <defaults>
</compile_context>

<pallas_src>
import jax
import jax.numpy as jnp
from jax import lax
from jax.experimental import pallas as pl
from jax.experimental.pallas import tpu as pltpu
from jax.experimental.pallas import tpu_sc as plsc

N_ROWS = 128
N_COLS = 32768
L = 16
NC = 2
NS = 16
NW = NC * NS

TC_ROWS = 64
SC_ROWS = N_ROWS - TC_ROWS
ROWS_PER_W = SC_ROWS // NW
TC_BLK = 16

CHUNKS = N_COLS // L
BLK_CHUNKS = 64
NBLK = CHUNKS // BLK_CHUNKS
ACC = 8
NBUF = 2
IMAX = jnp.iinfo(jnp.int32).max

_mesh = plsc.VectorSubcoreMesh(core_axis_name="c", subcore_axis_name="s",
                               num_cores=NC, num_subcores=NS)

_SCRATCH = [
    pltpu.VMEM((N_COLS,), jnp.float32),
    pltpu.VMEM((N_COLS,), jnp.float32),
    pltpu.VMEM((NBLK * L,), jnp.float32),
    pltpu.VMEM((L,), jnp.int32),
    pltpu.VMEM((L,), jnp.float32),
    pltpu.VMEM((L,), jnp.int32),
    pltpu.SemaphoreType.DMA,
    pltpu.SemaphoreType.DMA,
]


def _argmax_body(x_hbm, out_hbm, buf0, buf1, blkmax, resv, tmpv, tmpi,
                 sem0, sem1):
    c = lax.axis_index("c")
    s = lax.axis_index("s")
    w = c * NS + s
    row0 = TC_ROWS + w * ROWS_PER_W
    iota = lax.iota(jnp.int32, L)
    neg_inf = jnp.full((L,), -jnp.inf, jnp.float32)
    imax_v = jnp.full((L,), IMAX, jnp.int32)

    bufs = (buf0, buf1)
    sems = (sem0, sem1)
    descs = [None] * NBUF

    def start_row(r):
        descs[r % NBUF] = pltpu.async_copy(
            x_hbm.at[row0 + r], bufs[r % NBUF], sems[r % NBUF])

    for r in range(min(NBUF, ROWS_PER_W)):
        start_row(r)

    results = jnp.zeros((L,), jnp.int32)
    for r in range(ROWS_PER_W):
        descs[r % NBUF].wait()
        cur = bufs[r % NBUF]

        @plsc.parallel_loop(0, NBLK, carry=neg_inf)
        def gmax(b, gacc, cur=cur):
            base = b * (BLK_CHUNKS * L)

            @plsc.parallel_loop(0, BLK_CHUNKS, step=ACC, unroll=4,
                                carry=(neg_inf,) * ACC)
            def accs(i, ms):
                return tuple(
                    jnp.maximum(m, cur[pl.ds(base + (i + a) * L, L)])
                    for a, m in enumerate(ms))

            t0 = jnp.maximum(jnp.maximum(accs[0], accs[1]),
                             jnp.maximum(accs[2], accs[3]))
            t1 = jnp.maximum(jnp.maximum(accs[4], accs[5]),
                             jnp.maximum(accs[6], accs[7]))
            bm = jnp.maximum(t0, t1)
            blkmax[pl.ds(b * L, L)] = bm
            return jnp.maximum(gacc, bm)

        if r + NBUF < ROWS_PER_W:
            start_row(r + NBUF)

        mx = gmax
        for k in (8, 4, 2, 1):
            tmpv[...] = mx
            mx = jnp.maximum(mx, plsc.load_gather(tmpv, [iota ^ k]))

        @plsc.parallel_loop(0, NBLK, unroll=4, carry=imax_v)
        def firstb(i, fb):
            v = blkmax[pl.ds(i * L, L)]
            return jnp.minimum(fb, jnp.where(v == mx,
                                             jnp.full((L,), i, jnp.int32),
                                             imax_v))

        fb = firstb
        for k in (8, 4, 2, 1):
            tmpi[...] = fb
            fb = jnp.minimum(fb, plsc.load_gather(tmpi, [iota ^ k]))
        bstar = fb[0]

        base = bstar * (BLK_CHUNKS * L)

        @plsc.parallel_loop(0, BLK_CHUNKS, unroll=2,
                            carry=(neg_inf, jnp.zeros((L,), jnp.int32)))
        def scan(i, cr, cur=cur):
            best, bidx = cr
            v = cur[pl.ds(base + i * L, L)]
            m = v > best
            return (jnp.where(m, v, best),
                    jnp.where(m, jnp.full((L,), i, jnp.int32), bidx))

        best, ix = scan[0], (bstar * BLK_CHUNKS + scan[1]) * L + iota
        for k in (8, 4, 2, 1):
            tmpv[...] = best
            tmpi[...] = ix
            v2 = plsc.load_gather(tmpv, [iota ^ k])
            i2 = plsc.load_gather(tmpi, [iota ^ k])
            m = (v2 > best) | ((v2 == best) & (i2 < ix))
            best = jnp.where(m, v2, best)
            ix = jnp.where(m, i2, ix)
        results = jnp.where(iota == r, ix, results)

    resv[...] = results
    pltpu.sync_copy(resv, out_hbm.at[w])


_argmax_sc = pl.kernel(
    _argmax_body,
    out_type=jax.ShapeDtypeStruct((NW, L), jnp.int32),
    mesh=_mesh,
    compiler_params=pltpu.CompilerParams(needs_layout_passes=False),
    scratch_types=_SCRATCH,
)


def _tc_body(x_ref, o_ref):
    v = x_ref[...]
    m = jnp.max(v, axis=1, keepdims=True)
    idx = lax.broadcasted_iota(jnp.int32, v.shape, 1)
    cand = jnp.where(v == m, idx, IMAX)
    res = jnp.min(cand, axis=1, keepdims=True).astype(jnp.float32)
    o_ref[...] = jnp.broadcast_to(res, (TC_BLK, 128))


_tc_argmax = pl.pallas_call(
    _tc_body,
    grid=(TC_ROWS // TC_BLK,),
    in_specs=[pl.BlockSpec((TC_BLK, N_COLS), lambda i: (i, 0))],
    out_specs=pl.BlockSpec((TC_BLK, 128), lambda i: (i, 0)),
    out_shape=jax.ShapeDtypeStruct((TC_ROWS, 128), jnp.float32),
)


def kernel(x):
    board = _argmax_sc(x)
    tc = _tc_argmax(x)
    return jnp.concatenate(
        [tc[:, 0].astype(jnp.int32), board[:, :ROWS_PER_W].reshape(SC_ROWS)])

# --- scband reference (transcript-rebuilt; emitter-appended) ---
"""Pipeline reference for scband-arg-max-layer-63797444215529 (READ-ONLY COPY).

The authoritative reference and input builder live on the scoring server;
editing this copy changes nothing except your own understanding.
"""

import jax, jax.numpy as jnp
import numpy as np


def setup_inputs(seed: int = 0) -> dict:
    key = jax.random.key(seed)
    x = jax.random.normal(key, (128, 32768), dtype=jnp.float32)
    return {"x": x}


def reference(x):
    # Faithful translation of torch.argmax(x, dim=1)
    return jnp.argmax(x, axis=1)

if __name__ == "__main__":
    import jax
    _d = setup_inputs()
    print(jax.jit(kernel)(*tuple(_d.values())))

</pallas_src>

<mosaic_0001>
#map = affine_map<(d0, d1) -> (0, 0)>
module attributes {stable_mosaic.version = 14 : i64} {
  func.func @_argmax_body(%arg0: i32, %arg1: i32, %arg2: memref<128x32768xf32, #tpu.memory_space<hbm>>, %arg3: memref<32x16xi32, #tpu.memory_space<hbm>>, %arg4: memref<32768xf32, #tpu.memory_space<vmem>>, %arg5: memref<32768xf32, #tpu.memory_space<vmem>>, %arg6: memref<512xf32, #tpu.memory_space<vmem>>, %arg7: memref<16xi32, #tpu.memory_space<vmem>>, %arg8: memref<16xf32, #tpu.memory_space<vmem>>, %arg9: memref<16xi32, #tpu.memory_space<vmem>>, %arg10: memref<!tpu.dma_semaphore, #tpu.memory_space<semaphore_mem>>, %arg11: memref<!tpu.dma_semaphore, #tpu.memory_space<semaphore_mem>>) attributes {dimension_semantics = [#tpu.dimension_semantics<core_parallel>, #tpu.dimension_semantics<subcore_parallel>], iteration_bounds = array<i64: 2, 16>, scalar_prefetch = 0 : i64, scratch_operands = 8 : i64, tpu.core_type = #tpu.core_type<sc_vector_subcore>, window_params = [{transform_indices = #map}, {transform_indices = #map}]} {
    %mul3A = arith.constant 16 : i32
    %mul3A_0 = arith.muli %arg0, %mul3A : i32
    %add3A = arith.addi %mul3A_0, %arg1 : i32
    %mul3A_1 = arith.constant 2 : i32
    %mul3A_2 = arith.muli %add3A, %mul3A_1 : i32
    %add3A_3 = arith.constant 64 : i32
    %add3A_4 = arith.addi %add3A_3, %mul3A_2 : i32
    %iota3A = tpu.iota {dimensions = array<i32: 0>} : vector<16xi32>
    %broadcast_in_dim3A = arith.constant 0xFF800000 : f32
    %broadcast_in_dim3A_5 = vector.broadcast %broadcast_in_dim3A : f32 to vector<16xf32>
    %broadcast_in_dim3A_6 = arith.constant 2147483647 : i32
    %broadcast_in_dim3A_7 = vector.broadcast %broadcast_in_dim3A_6 : i32 to vector<16xi32>
    %add3A_8 = arith.constant 0 : i32
    %add3A_9 = arith.addi %add3A_4, %add3A_8 : i32
    %dma_start3A = arith.constant 0 : i32
    %dma_start3A_10 = tpu.memref_slice %arg2[%add3A_9, %dma_start3A] : memref<128x32768xf32, #tpu.memory_space<hbm>> -> memref<1x32768xf32, #tpu.memory_space<hbm>>
    %dma_start3A_11 = tpu.memref_squeeze %dma_start3A_10 : memref<1x32768xf32, #tpu.memory_space<hbm>> -> memref<32768xf32, #tpu.memory_space<hbm>>
    %dma_start3A_12 = arith.constant 0 : i32
    %dma_start3A_13 = tpu.memref_slice %arg2[%add3A_9, %dma_start3A_12] : memref<128x32768xf32, #tpu.memory_space<hbm>> -> memref<1x32768xf32, #tpu.memory_space<hbm>>
    %dma_start3A_14 = tpu.memref_squeeze %dma_start3A_13 : memref<1x32768xf32, #tpu.memory_space<hbm>> -> memref<32768xf32, #tpu.memory_space<hbm>>
    tpu.enqueue_dma source(%dma_start3A_14 : memref<32768xf32, #tpu.memory_space<hbm>>) target(%arg4 : memref<32768xf32, #tpu.memory_space<vmem>>) target_semaphore(%arg10 : memref<!tpu.dma_semaphore, #tpu.memory_space<semaphore_mem>>)
    %add3A_15 = arith.constant 1 : i32
    %add3A_16 = arith.addi %add3A_4, %add3A_15 : i32
    %dma_start3A_17 = arith.constant 0 : i32
    %dma_start3A_18 = tpu.memref_slice %arg2[%add3A_16, %dma_start3A_17] : memref<128x32768xf32, #tpu.memory_space<hbm>> -> memref<1x32768xf32, #tpu.memory_space<hbm>>
    %dma_start3A_19 = tpu.memref_squeeze %dma_start3A_18 : memref<1x32768xf32, #tpu.memory_space<hbm>> -> memref<32768xf32, #tpu.memory_space<hbm>>
    %dma_start3A_20 = arith.constant 0 : i32
    %dma_start3A_21 = tpu.memref_slice %arg2[%add3A_16, %dma_start3A_20] : memref<128x32768xf32, #tpu.memory_space<hbm>> -> memref<1x32768xf32, #tpu.memory_space<hbm>>
    %dma_start3A_22 = tpu.memref_squeeze %dma_start3A_21 : memref<1x32768xf32, #tpu.memory_space<hbm>> -> memref<32768xf32, #tpu.memory_space<hbm>>
    tpu.enqueue_dma source(%dma_start3A_22 : memref<32768xf32, #tpu.memory_space<hbm>>) target(%arg5 : memref<32768xf32, #tpu.memory_space<vmem>>) target_semaphore(%arg11 : memref<!tpu.dma_semaphore, #tpu.memory_space<semaphore_mem>>)
    %broadcast_in_dim3A_23 = arith.constant 0 : i32
    %broadcast_in_dim3A_24 = vector.broadcast %broadcast_in_dim3A_23 : i32 to vector<16xi32>
    %dma_wait3A = arith.constant 0 : i32
    %dma_wait3A_25 = tpu.memref_slice %arg2[%add3A_9, %dma_wait3A] : memref<128x32768xf32, #tpu.memory_space<hbm>> -> memref<1x32768xf32, #tpu.memory_space<hbm>>
    %dma_wait3A_26 = tpu.memref_squeeze %dma_wait3A_25 : memref<1x32768xf32, #tpu.memory_space<hbm>> -> memref<32768xf32, #tpu.memory_space<hbm>>
    %dma_wait3A_27 = arith.constant 0 : i32
    %dma_wait3A_28 = tpu.memref_slice %arg2[%add3A_9, %dma_wait3A_27] : memref<128x32768xf32, #tpu.memory_space<hbm>> -> memref<1x32768xf32, #tpu.memory_space<hbm>>
    %dma_wait3A_29 = tpu.memref_squeeze %dma_wait3A_28 : memref<1x32768xf32, #tpu.memory_space<hbm>> -> memref<32768xf32, #tpu.memory_space<hbm>>
    tpu.wait_dma2 semaphore(%arg10 : memref<!tpu.dma_semaphore, #tpu.memory_space<semaphore_mem>>) src(%dma_wait3A_29 : memref<32768xf32, #tpu.memory_space<hbm>>) dst(%arg4 : memref<32768xf32, #tpu.memory_space<vmem>>)
    %parallel_loop3A = arith.constant 0 : i32
    %parallel_loop3A_30 = arith.constant 32 : i32
    %parallel_loop3A_31 = arith.constant 1 : i32
    %parallel_loop3A_32 = scf.for %parallel_loop3A_348 = %parallel_loop3A to %parallel_loop3A_30 step %parallel_loop3A_31 iter_args(%parallel_loop3A_349 = %broadcast_in_dim3A_5) -> (vector<16xf32>)  : i32 {
      %parallel_loop3A_350 = arith.constant 1024 : i32
      %parallel_loop3A_351 = arith.muli %parallel_loop3A_348, %parallel_loop3A_350 : i32
      %parallel_loop3A_352 = arith.constant 0 : i32
      %parallel_loop3A_353 = arith.constant 64 : i32
      %parallel_loop3A_354 = arith.constant 8 : i32
      %parallel_loop3A_355:8 = scf.for %parallel_loop3A_368 = %parallel_loop3A_352 to %parallel_loop3A_353 step %parallel_loop3A_354 iter_args(%parallel_loop3A_369 = %broadcast_in_dim3A_5, %parallel_loop3A_370 = %broadcast_in_dim3A_5, %parallel_loop3A_371 = %broadcast_in_dim3A_5, %parallel_loop3A_372 = %broadcast_in_dim3A_5, %parallel_loop3A_373 = %broadcast_in_dim3A_5, %parallel_loop3A_374 = %broadcast_in_dim3A_5, %parallel_loop3A_375 = %broadcast_in_dim3A_5, %parallel_loop3A_376 = %broadcast_in_dim3A_5) -> (vector<16xf32>, vector<16xf32>, vector<16xf32>, vector<16xf32>, vector<16xf32>, vector<16xf32>, vector<16xf32>, vector<16xf32>)  : i32 {
        %parallel_loop3A_377 = arith.constant 0 : i32
        %parallel_loop3A_378 = arith.addi %parallel_loop3A_368, %parallel_loop3A_377 : i32
        %parallel_loop3A_379 = arith.constant 16 : i32
        %parallel_loop3A_380 = arith.muli %parallel_loop3A_378, %parallel_loop3A_379 : i32
        %parallel_loop3A_381 = arith.addi %parallel_loop3A_351, %parallel_loop3A_380 : i32
        %parallel_loop3A_382 = arith.index_cast %parallel_loop3A_381 : i32 to index
        %parallel_loop3A_383 = tpu.vector_load %arg4[%parallel_loop3A_382] {strides = array<i32>} : memref<32768xf32, #tpu.memory_space<vmem>>, vector<16xf32>,
        %parallel_loop3A_384 = arith.maximumf %parallel_loop3A_369, %parallel_loop3A_383 : vector<16xf32>
        %parallel_loop3A_385 = arith.constant 1 : i32
        %parallel_loop3A_386 = arith.addi %parallel_loop3A_368, %parallel_loop3A_385 : i32
        %parallel_loop3A_387 = arith.constant 16 : i32
        %parallel_loop3A_388 = arith.muli %parallel_loop3A_386, %parallel_loop3A_387 : i32
        %parallel_loop3A_389 = arith.addi %parallel_loop3A_351, %parallel_loop3A_388 : i32
        %parallel_loop3A_390 = arith.index_cast %parallel_loop3A_389 : i32 to index
        %parallel_loop3A_391 = tpu.vector_load %arg4[%parallel_loop3A_390] {strides = array<i32>} : memref<32768xf32, #tpu.memory_space<vmem>>, vector<16xf32>,
        %parallel_loop3A_392 = arith.maximumf %parallel_loop3A_370, %parallel_loop3A_391 : vector<16xf32>
        %parallel_loop3A_393 = arith.constant 2 : i32
        %parallel_loop3A_394 = arith.addi %parallel_loop3A_368, %parallel_loop3A_393 : i32
        %parallel_loop3A_395 = arith.constant 16 : i32
        %parallel_loop3A_396 = arith.muli %parallel_loop3A_394, %parallel_loop3A_395 : i32
        %parallel_loop3A_397 = arith.addi %parallel_loop3A_351, %parallel_loop3A_396 : i32
        %parallel_loop3A_398 = arith.index_cast %parallel_loop3A_397 : i32 to index
        %parallel_loop3A_399 = tpu.vector_load %arg4[%parallel_loop3A_398] {strides = array<i32>} : memref<32768xf32, #tpu.memory_space<vmem>>, vector<16xf32>,
        %parallel_loop3A_400 = arith.maximumf %parallel_loop3A_371, %parallel_loop3A_399 : vector<16xf32>
        %parallel_loop3A_401 = arith.constant 3 : i32
        %parallel_loop3A_402 = arith.addi %parallel_loop3A_368, %parallel_loop3A_401 : i32
        %parallel_loop3A_403 = arith.constant 16 : i32
        %parallel_loop3A_404 = arith.muli %parallel_loop3A_402, %parallel_loop3A_403 : i32
        %parallel_loop3A_405 = arith.addi %parallel_loop3A_351, %parallel_loop3A_404 : i32
        %parallel_loop3A_406 = arith.index_cast %parallel_loop3A_405 : i32 to index
        %parallel_loop3A_407 = tpu.vector_load %arg4[%parallel_loop3A_406] {strides = array<i32>} : memref<32768xf32, #tpu.memory_space<vmem>>, vector<16xf32>,
        %parallel_loop3A_408 = arith.maximumf %parallel_loop3A_372, %parallel_loop3A_407 : vector<16xf32>
        %parallel_loop3A_409 = arith.constant 4 : i32
        %parallel_loop3A_410 = arith.addi %parallel_loop3A_368, %parallel_loop3A_409 : i32
        %parallel_loop3A_411 = arith.constant 16 : i32
        %parallel_loop3A_412 = arith.muli %parallel_loop3A_410, %parallel_loop3A_411 : i32
        %parallel_loop3A_413 = arith.addi %parallel_loop3A_351, %parallel_loop3A_412 : i32
        %parallel_loop3A_414 = arith.index_cast %parallel_loop3A_413 : i32 to index
        %parallel_loop3A_415 = tpu.vector_load %arg4[%parallel_loop3A_414] {strides = array<i32>} : memref<32768xf32, #tpu.memory_space<vmem>>, vector<16xf32>,
        %parallel_loop3A_416 = arith.maximumf %parallel_loop3A_373, %parallel_loop3A_415 : vector<16xf32>
        %parallel_loop3A_417 = arith.constant 5 : i32
        %parallel_loop3A_418 = arith.addi %parallel_loop3A_368, %parallel_loop3A_417 : i32
        %parallel_loop3A_419 = arith.constant 16 : i32
        %parallel_loop3A_420 = arith.muli %parallel_loop3A_418, %parallel_loop3A_419 : i32
        %parallel_loop3A_421 = arith.addi %parallel_loop3A_351, %parallel_loop3A_420 : i32
        %parallel_loop3A_422 = arith.index_cast %parallel_loop3A_421 : i32 to index
        %parallel_loop3A_423 = tpu.vector_load %arg4[%parallel_loop3A_422] {strides = array<i32>} : memref<32768xf32, #tpu.memory_space<vmem>>, vector<16xf32>,
        %parallel_loop3A_424 = arith.maximumf %parallel_loop3A_374, %parallel_loop3A_423 : vector<16xf32>
        %parallel_loop3A_425 = arith.constant 6 : i32
        %parallel_loop3A_426 = arith.addi %parallel_loop3A_368, %parallel_loop3A_425 : i32
        %parallel_loop3A_427 = arith.constant 16 : i32
        %parallel_loop3A_428 = arith.muli %parallel_loop3A_426, %parallel_loop3A_427 : i32
        %parallel_loop3A_429 = arith.addi %parallel_loop3A_351, %parallel_loop3A_428 : i32
        %parallel_loop3A_430 = arith.index_cast %parallel_loop3A_429 : i32 to index
        %parallel_loop3A_431 = tpu.vector_load %arg4[%parallel_loop3A_430] {strides = array<i32>} : memref<32768xf32, #tpu.memory_space<vmem>>, vector<16xf32>,
        %parallel_loop3A_432 = arith.maximumf %parallel_loop3A_375, %parallel_loop3A_431 : vector<16xf32>
        %parallel_loop3A_433 = arith.constant 7 : i32
        %parallel_loop3A_434 = arith.addi %parallel_loop3A_368, %parallel_loop3A_433 : i32
        %parallel_loop3A_435 = arith.constant 16 : i32
        %parallel_loop3A_436 = arith.muli %parallel_loop3A_434, %parallel_loop3A_435 : i32
        %parallel_loop3A_437 = arith.addi %parallel_loop3A_351, %parallel_loop3A_436 : i32
        %parallel_loop3A_438 = arith.index_cast %parallel_loop3A_437 : i32 to index
        %parallel_loop3A_439 = tpu.vector_load %arg4[%parallel_loop3A_438] {strides = array<i32>} : memref<32768xf32, #tpu.memory_space<vmem>>, vector<16xf32>,
        %parallel_loop3A_440 = arith.maximumf %parallel_loop3A_376, %parallel_loop3A_439 : vector<16xf32>
        scf.yield %parallel_loop3A_384, %parallel_loop3A_392, %parallel_loop3A_400, %parallel_loop3A_408, %parallel_loop3A_416, %parallel_loop3A_424, %parallel_loop3A_432, %parallel_loop3A_440 : vector<16xf32>, vector<16xf32>, vector<16xf32>, vector<16xf32>, vector<16xf32>, vector<16xf32>, vector<16xf32>, vector<16xf32>
      } {sc.loop_unroll_factor = 4 : i64, sc.parallel_access}
      %parallel_loop3A_356 = arith.maximumf %parallel_loop3A_355#0, %parallel_loop3A_355#1 : vector<16xf32>
      %parallel_loop3A_357 = arith.maximumf %parallel_loop3A_355#2, %parallel_loop3A_355#3 : vector<16xf32>
      %parallel_loop3A_358 = arith.maximumf %parallel_loop3A_356, %parallel_loop3A_357 : vector<16xf32>
      %parallel_loop3A_359 = arith.maximumf %parallel_loop3A_355#4, %parallel_loop3A_355#5 : vector<16xf32>
      %parallel_loop3A_360 = arith.maximumf %parallel_loop3A_355#6, %parallel_loop3A_355#7 : vector<16xf32>
      %parallel_loop3A_361 = arith.maximumf %parallel_loop3A_359, %parallel_loop3A_360 : vector<16xf32>
      %parallel_loop3A_362 = arith.maximumf %parallel_loop3A_358, %parallel_loop3A_361 : vector<16xf32>
      %parallel_loop3A_363 = arith.constant 16 : i32
      %parallel_loop3A_364 = arith.muli %parallel_loop3A_348, %parallel_loop3A_363 : i32
      %parallel_loop3A_365 = arith.index_cast %parallel_loop3A_364 : i32 to index
      %parallel_loop3A_366 = tpu.vector_load %arg6[%parallel_loop3A_365] {strides = array<i32>} : memref<512xf32, #tpu.memory_space<vmem>>, vector<16xf32>,
      tpu.vector_store %arg6[%parallel_loop3A_365], %parallel_loop3A_362 {strides = array<i32>} : memref<512xf32, #tpu.memory_space<vmem>>, vector<16xf32>,
      %parallel_loop3A_367 = arith.maximumf %parallel_loop3A_349, %parallel_loop3A_362 : vector<16xf32>
      scf.yield %parallel_loop3A_367 : vector<16xf32>
    } {sc.loop_unroll_factor = 1 : i64, sc.parallel_access}
    %swap3A = arith.constant 0 : index
    %swap3A_33 = tpu.vector_load %arg8[%swap3A] {strides = array<i32>} : memref<16xf32, #tpu.memory_space<vmem>>, vector<16xf32>,
    tpu.vector_store %arg8[%swap3A], %parallel_loop3A_32 {strides = array<i32>} : memref<16xf32, #tpu.memory_space<vmem>>, vector<16xf32>,
    %xor3A = arith.constant 8 : i32
    %xor3A_34 = vector.broadcast %xor3A : i32 to vector<16xi32>
    %xor3A_35 = arith.xori %iota3A, %xor3A_34 : vector<16xi32>
    %gather3A = tpu.vector_load_idx %arg8[%xor3A_35] : memref<16xf32, #tpu.memory_space<vmem>>[vector<16xi32>], vector<16xf32>,
    %max3A = arith.maximumf %parallel_loop3A_32, %gather3A : vector<16xf32>
    %swap3A_36 = arith.constant 0 : index
    %swap3A_37 = tpu.vector_load %arg8[%swap3A_36] {strides = array<i32>} : memref<16xf32, #tpu.memory_space<vmem>>, vector<16xf32>,
    tpu.vector_store %arg8[%swap3A_36], %max3A {strides = array<i32>} : memref<16xf32, #tpu.memory_space<vmem>>, vector<16xf32>,
    %xor3A_38 = arith.constant 4 : i32
    %xor3A_39 = vector.broadcast %xor3A_38 : i32 to vector<16xi32>
    %xor3A_40 = arith.xori %iota3A, %xor3A_39 : vector<16xi32>
    %gather3A_41 = tpu.vector_load_idx %arg8[%xor3A_40] : memref<16xf32, #tpu.memory_space<vmem>>[vector<16xi32>], vector<16xf32>,
    %max3A_42 = arith.maximumf %max3A, %gather3A_41 : vector<16xf32>
    %swap3A_43 = arith.constant 0 : index
    %swap3A_44 = tpu.vector_load %arg8[%swap3A_43] {strides = array<i32>} : memref<16xf32, #tpu.memory_space<vmem>>, vector<16xf32>,
    tpu.vector_store %arg8[%swap3A_43], %max3A_42 {strides = array<i32>} : memref<16xf32, #tpu.memory_space<vmem>>, vector<16xf32>,
    %xor3A_45 = arith.constant 2 : i32
    %xor3A_46 = vector.broadcast %xor3A_45 : i32 to vector<16xi32>
    %xor3A_47 = arith.xori %iota3A, %xor3A_46 : vector<16xi32>
    %gather3A_48 = tpu.vector_load_idx %arg8[%xor3A_47] : memref<16xf32, #tpu.memory_space<vmem>>[vector<16xi32>], vector<16xf32>,
    %max3A_49 = arith.maximumf %max3A_42, %gather3A_48 : vector<16xf32>
    %swap3A_50 = arith.constant 0 : index
    %swap3A_51 = tpu.vector_load %arg8[%swap3A_50] {strides = array<i32>} : memref<16xf32, #tpu.memory_space<vmem>>, vector<16xf32>,
    tpu.vector_store %arg8[%swap3A_50], %max3A_49 {strides = array<i32>} : memref<16xf32, #tpu.memory_space<vmem>>, vector<16xf32>,
    %xor3A_52 = arith.constant 1 : i32
    %xor3A_53 = vector.broadcast %xor3A_52 : i32 to vector<16xi32>
    %xor3A_54 = arith.xori %iota3A, %xor3A_53 : vector<16xi32>
    %gather3A_55 = tpu.vector_load_idx %arg8[%xor3A_54] : memref<16xf32, #tpu.memory_space<vmem>>[vector<16xi32>], vector<16xf32>,
    %max3A_56 = arith.maximumf %max3A_49, %gather3A_55 : vector<16xf32>
    %parallel_loop3A_57 = arith.constant 0 : i32
    %parallel_loop3A_58 = arith.constant 32 : i32
    %parallel_loop3A_59 = arith.constant 1 : i32
    %parallel_loop3A_60 = scf.for %parallel_loop3A_348 = %parallel_loop3A_57 to %parallel_loop3A_58 step %parallel_loop3A_59 iter_args(%parallel_loop3A_349 = %broadcast_in_dim3A_7) -> (vector<16xi32>)  : i32 {
      %parallel_loop3A_350 = arith.constant 16 : i32
      %parallel_loop3A_351 = arith.muli %parallel_loop3A_348, %parallel_loop3A_350 : i32
      %parallel_loop3A_352 = arith.index_cast %parallel_loop3A_351 : i32 to index
      %parallel_loop3A_353 = tpu.vector_load %arg6[%parallel_loop3A_352] {strides = array<i32>} : memref<512xf32, #tpu.memory_space<vmem>>, vector<16xf32>,
      %parallel_loop3A_354 = arith.cmpf oeq, %parallel_loop3A_353, %max3A_56 : vector<16xf32>
      %parallel_loop3A_355 = vector.broadcast %parallel_loop3A_348 : i32 to vector<16xi32>
      %parallel_loop3A_356 = arith.select %parallel_loop3A_354, %parallel_loop3A_355, %broadcast_in_dim3A_7 : vector<16xi1>, vector<16xi32>
      %parallel_loop3A_357 = arith.minsi %parallel_loop3A_349, %parallel_loop3A_356 : vector<16xi32>
      scf.yield %parallel_loop3A_357 : vector<16xi32>
    } {sc.loop_unroll_factor = 4 : i64, sc.parallel_access}
    %swap3A_61 = arith.constant 0 : index
    %swap3A_62 = tpu.vector_load %arg9[%swap3A_61] {strides = array<i32>} : memref<16xi32, #tpu.memory_space<vmem>>, vector<16xi32>,
    tpu.vector_store %arg9[%swap3A_61], %parallel_loop3A_60 {strides = array<i32>} : memref<16xi32, #tpu.memory_space<vmem>>, vector<16xi32>,
    %xor3A_63 = arith.constant 8 : i32
    %xor3A_64 = vector.broadcast %xor3A_63 : i32 to vector<16xi32>
    %xor3A_65 = arith.xori %iota3A, %xor3A_64 : vector<16xi32>
    %gather3A_66 = tpu.vector_load_idx %arg9[%xor3A_65] : memref<16xi32, #tpu.memory_space<vmem>>[vector<16xi32>], vector<16xi32>,
    %min3A = arith.minsi %parallel_loop3A_60, %gather3A_66 : vector<16xi32>
    %swap3A_67 = arith.constant 0 : index
    %swap3A_68 = tpu.vector_load %arg9[%swap3A_67] {strides = array<i32>} : memref<16xi32, #tpu.memory_space<vmem>>, vector<16xi32>,
    tpu.vector_store %arg9[%swap3A_67], %min3A {strides = array<i32>} : memref<16xi32, #tpu.memory_space<vmem>>, vector<16xi32>,
    %xor3A_69 = arith.constant 4 : i32
    %xor3A_70 = vector.broadcast %xor3A_69 : i32 to vector<16xi32>
    %xor3A_71 = arith.xori %iota3A, %xor3A_70 : vector<16xi32>
    %gather3A_72 = tpu.vector_load_idx %arg9[%xor3A_71] : memref<16xi32, #tpu.memory_space<vmem>>[vector<16xi32>], vector<16xi32>,
    %min3A_73 = arith.minsi %min3A, %gather3A_72 : vector<16xi32>
    %swap3A_74 = arith.constant 0 : index
    %swap3A_75 = tpu.vector_load %arg9[%swap3A_74] {strides = array<i32>} : memref<16xi32, #tpu.memory_space<vmem>>, vector<16xi32>,
    tpu.vector_store %arg9[%swap3A_74], %min3A_73 {strides = array<i32>} : memref<16xi32, #tpu.memory_space<vmem>>, vector<16xi32>,
    %xor3A_76 = arith.constant 2 : i32
    %xor3A_77 = vector.broadcast %xor3A_76 : i32 to vector<16xi32>
    %xor3A_78 = arith.xori %iota3A, %xor3A_77 : vector<16xi32>
    %gather3A_79 = tpu.vector_load_idx %arg9[%xor3A_78] : memref<16xi32, #tpu.memory_space<vmem>>[vector<16xi32>], vector<16xi32>,
    %min3A_80 = arith.minsi %min3A_73, %gather3A_79 : vector<16xi32>
    %swap3A_81 = arith.constant 0 : index
    %swap3A_82 = tpu.vector_load %arg9[%swap3A_81] {strides = array<i32>} : memref<16xi32, #tpu.memory_space<vmem>>, vector<16xi32>,
    tpu.vector_store %arg9[%swap3A_81], %min3A_80 {strides = array<i32>} : memref<16xi32, #tpu.memory_space<vmem>>, vector<16xi32>,
    %xor3A_83 = arith.constant 1 : i32
    %xor3A_84 = vector.broadcast %xor3A_83 : i32 to vector<16xi32>
    %xor3A_85 = arith.xori %iota3A, %xor3A_84 : vector<16xi32>
    %gather3A_86 = tpu.vector_load_idx %arg9[%xor3A_85] : memref<16xi32, #tpu.memory_space<vmem>>[vector<16xi32>], vector<16xi32>,
    %min3A_87 = arith.minsi %min3A_80, %gather3A_86 : vector<16xi32>
    %slice3A = vector.extract_strided_slice %min3A_87 {offsets = [0], sizes = [1], strides = [1]} : vector<16xi32> to vector<1xi32>
    %squeeze3A = vector.extract %slice3A[0] : i32 from vector<1xi32>
    %mul3A_88 = arith.constant 1024 : i32
    %mul3A_89 = arith.muli %squeeze3A, %mul3A_88 : i32
    %broadcast_in_dim3A_90 = arith.constant 0 : i32
    %broadcast_in_dim3A_91 = vector.broadcast %broadcast_in_dim3A_90 : i32 to vector<16xi32>
    %parallel_loop3A_92 = arith.constant 0 : i32
    %parallel_loop3A_93 = arith.constant 64 : i32
    %parallel_loop3A_94 = arith.constant 1 : i32
    %parallel_loop3A_95:2 = scf.for %parallel_loop3A_348 = %parallel_loop3A_92 to %parallel_loop3A_93 step %parallel_loop3A_94 iter_args(%parallel_loop3A_349 = %broadcast_in_dim3A_5, %parallel_loop3A_350 = %broadcast_in_dim3A_91) -> (vector<16xf32>, vector<16xi32>)  : i32 {
      %parallel_loop3A_351 = arith.constant 16 : i32
      %parallel_loop3A_352 = arith.muli %parallel_loop3A_348, %parallel_loop3A_351 : i32
      %parallel_loop3A_353 = arith.addi %mul3A_89, %parallel_loop3A_352 : i32
      %parallel_loop3A_354 = arith.index_cast %parallel_loop3A_353 : i32 to index
      %parallel_loop3A_355 = tpu.vector_load %arg4[%parallel_loop3A_354] {strides = array<i32>} : memref<32768xf32, #tpu.memory_space<vmem>>, vector<16xf32>,
      %parallel_loop3A_356 = arith.cmpf ogt, %parallel_loop3A_355, %parallel_loop3A_349 : vector<16xf32>
      %parallel_loop3A_357 = arith.select %parallel_loop3A_356, %parallel_loop3A_355, %parallel_loop3A_349 : vector<16xi1>, vector<16xf32>
      %parallel_loop3A_358 = vector.broadcast %parallel_loop3A_348 : i32 to vector<16xi32>
      %parallel_loop3A_359 = arith.select %parallel_loop3A_356, %parallel_loop3A_358, %parallel_loop3A_350 : vector<16xi1>, vector<16xi32>
      scf.yield %parallel_loop3A_357, %parallel_loop3A_359 : vector<16xf32>, vector<16xi32>
    } {sc.loop_unroll_factor = 2 : i64, sc.parallel_access}
    %mul3A_96 = arith.constant 64 : i32
    %mul3A_97 = arith.muli %squeeze3A, %mul3A_96 : i32
    %add3A_98 = vector.broadcast %mul3A_97 : i32 to vector<16xi32>
    %add3A_99 = arith.addi %add3A_98, %parallel_loop3A_95#1 : vector<16xi32>
    %mul3A_100 = arith.constant 16 : i32
    %mul3A_101 = vector.broadcast %mul3A_100 : i32 to vector<16xi32>
    %mul3A_102 = arith.muli %add3A_99, %mul3A_101 : vector<16xi32>
    %add3A_103 = arith.addi %mul3A_102, %iota3A : vector<16xi32>
    %swap3A_104 = arith.constant 0 : index
    %swap3A_105 = tpu.vector_load %arg8[%swap3A_104] {strides = array<i32>} : memref<16xf32, #tpu.memory_space<vmem>>, vector<16xf32>,
    tpu.vector_store %arg8[%swap3A_104], %parallel_loop3A_95#0 {strides = array<i32>} : memref<16xf32, #tpu.memory_space<vmem>>, vector<16xf32>,
    %swap3A_106 = arith.constant 0 : index
    %swap3A_107 = tpu.vector_load %arg9[%swap3A_106] {strides = array<i32>} : memref<16xi32, #tpu.memory_space<vmem>>, vector<16xi32>,
    tpu.vector_store %arg9[%swap3A_106], %add3A_103 {strides = array<i32>} : memref<16xi32, #tpu.memory_space<vmem>>, vector<16xi32>,
    %xor3A_108 = arith.constant 8 : i32
    %xor3A_109 = vector.broadcast %xor3A_108 : i32 to vector<16xi32>
    %xor3A_110 = arith.xori %iota3A, %xor3A_109 : vector<16xi32>
    %gather3A_111 = tpu.vector_load_idx %arg8[%xor3A_110] : memref<16xf32, #tpu.memory_space<vmem>>[vector<16xi32>], vector<16xf32>,
    %xor3A_112 = arith.constant 8 : i32
    %xor3A_113 = vector.broadcast %xor3A_112 : i32 to vector<16xi32>
    %xor3A_114 = arith.xori %iota3A, %xor3A_113 : vector<16xi32>
    %gather3A_115 = tpu.vector_load_idx %arg9[%xor3A_114] : memref<16xi32, #tpu.memory_space<vmem>>[vector<16xi32>], vector<16xi32>,
    %gt3A = arith.cmpf ogt, %gather3A_111, %parallel_loop3A_95#0 : vector<16xf32>
    %eq3A = arith.cmpf oeq, %gather3A_111, %parallel_loop3A_95#0 : vector<16xf32>
    %lt3A = arith.cmpi slt, %gather3A_115, %add3A_103 : vector<16xi32>
    %and3A = arith.andi %eq3A, %lt3A : vector<16xi1>
    %or3A = arith.ori %gt3A, %and3A : vector<16xi1>
    %select_n3A = arith.select %or3A, %gather3A_111, %parallel_loop3A_95#0 : vector<16xi1>, vector<16xf32>
    %select_n3A_116 = arith.select %or3A, %gather3A_115, %add3A_103 : vector<16xi1>, vector<16xi32>
    %swap3A_117 = arith.constant 0 : index
    %swap3A_118 = tpu.vector_load %arg8[%swap3A_117] {strides = array<i32>} : memref<16xf32, #tpu.memory_space<vmem>>, vector<16xf32>,
    tpu.vector_store %arg8[%swap3A_117], %select_n3A {strides = array<i32>} : memref<16xf32, #tpu.memory_space<vmem>>, vector<16xf32>,
    %swap3A_119 = arith.constant 0 : index
    %swap3A_120 = tpu.vector_load %arg9[%swap3A_119] {strides = array<i32>} : memref<16xi32, #tpu.memory_space<vmem>>, vector<16xi32>,
    tpu.vector_store %arg9[%swap3A_119], %select_n3A_116 {strides = array<i32>} : memref<16xi32, #tpu.memory_space<vmem>>, vector<16xi32>,
    %xor3A_121 = arith.constant 4 : i32
    %xor3A_122 = vector.broadcast %xor3A_121 : i32 to vector<16xi32>
    %xor3A_123 = arith.xori %iota3A, %xor3A_122 : vector<16xi32>
    %gather3A_124 = tpu.vector_load_idx %arg8[%xor3A_123] : memref<16xf32, #tpu.memory_space<vmem>>[vector<16xi32>], vector<16xf32>,
    %xor3A_125 = arith.constant 4 : i32
    %xor3A_126 = vector.broadcast %xor3A_125 : i32 to vector<16xi32>
    %xor3A_127 = arith.xori %iota3A, %xor3A_126 : vector<16xi32>
    %gather3A_128 = tpu.vector_load_idx %arg9[%xor3A_127] : memref<16xi32, #tpu.memory_space<vmem>>[vector<16xi32>], vector<16xi32>,
    %gt3A_129 = arith.cmpf ogt, %gather3A_124, %select_n3A : vector<16xf32>
    %eq3A_130 = arith.cmpf oeq, %gather3A_124, %select_n3A : vector<16xf32>
    %lt3A_131 = arith.cmpi slt, %gather3A_128, %select_n3A_116 : vector<16xi32>
    %and3A_132 = arith.andi %eq3A_130, %lt3A_131 : vector<16xi1>
    %or3A_133 = arith.ori %gt3A_129, %and3A_132 : vector<16xi1>
    %select_n3A_134 = arith.select %or3A_133, %gather3A_124, %select_n3A : vector<16xi1>, vector<16xf32>
    %select_n3A_135 = arith.select %or3A_133, %gather3A_128, %select_n3A_116 : vector<16xi1>, vector<16xi32>
    %swap3A_136 = arith.constant 0 : index
    %swap3A_137 = tpu.vector_load %arg8[%swap3A_136] {strides = array<i32>} : memref<16xf32, #tpu.memory_space<vmem>>, vector<16xf32>,
    tpu.vector_store %arg8[%swap3A_136], %select_n3A_134 {strides = array<i32>} : memref<16xf32, #tpu.memory_space<vmem>>, vector<16xf32>,
    %swap3A_138 = arith.constant 0 : index
    %swap3A_139 = tpu.vector_load %arg9[%swap3A_138] {strides = array<i32>} : memref<16xi32, #tpu.memory_space<vmem>>, vector<16xi32>,
    tpu.vector_store %arg9[%swap3A_138], %select_n3A_135 {strides = array<i32>} : memref<16xi32, #tpu.memory_space<vmem>>, vector<16xi32>,
    %xor3A_140 = arith.constant 2 : i32
    %xor3A_141 = vector.broadcast %xor3A_140 : i32 to vector<16xi32>
    %xor3A_142 = arith.xori %iota3A, %xor3A_141 : vector<16xi32>
    %gather3A_143 = tpu.vector_load_idx %arg8[%xor3A_142] : memref<16xf32, #tpu.memory_space<vmem>>[vector<16xi32>], vector<16xf32>,
    %xor3A_144 = arith.constant 2 : i32
    %xor3A_145 = vector.broadcast %xor3A_144 : i32 to vector<16xi32>
    %xor3A_146 = arith.xori %iota3A, %xor3A_145 : vector<16xi32>
    %gather3A_147 = tpu.vector_load_idx %arg9[%xor3A_146] : memref<16xi32, #tpu.memory_space<vmem>>[vector<16xi32>], vector<16xi32>,
    %gt3A_148 = arith.cmpf ogt, %gather3A_143, %select_n3A_134 : vector<16xf32>
    %eq3A_149 = arith.cmpf oeq, %gather3A_143, %select_n3A_134 : vector<16xf32>
    %lt3A_150 = arith.cmpi slt, %gather3A_147, %select_n3A_135 : vector<16xi32>
    %and3A_151 = arith.andi %eq3A_149, %lt3A_150 : vector<16xi1>
    %or3A_152 = arith.ori %gt3A_148, %and3A_151 : vector<16xi1>
    %select_n3A_153 = arith.select %or3A_152, %gather3A_143, %select_n3A_134 : vector<16xi1>, vector<16xf32>
    %select_n3A_154 = arith.select %or3A_152, %gather3A_147, %select_n3A_135 : vector<16xi1>, vector<16xi32>
    %swap3A_155 = arith.constant 0 : index
    %swap3A_156 = tpu.vector_load %arg8[%swap3A_155] {strides = array<i32>} : memref<16xf32, #tpu.memory_space<vmem>>, vector<16xf32>,
    tpu.vector_store %arg8[%swap3A_155], %select_n3A_153 {strides = array<i32>} : memref<16xf32, #tpu.memory_space<vmem>>, vector<16xf32>,
    %swap3A_157 = arith.constant 0 : index
    %swap3A_158 = tpu.vector_load %arg9[%swap3A_157] {strides = array<i32>} : memref<16xi32, #tpu.memory_space<vmem>>, vector<16xi32>,
    tpu.vector_store %arg9[%swap3A_157], %select_n3A_154 {strides = array<i32>} : memref<16xi32, #tpu.memory_space<vmem>>, vector<16xi32>,
    %xor3A_159 = arith.constant 1 : i32
    %xor3A_160 = vector.broadcast %xor3A_159 : i32 to vector<16xi32>
    %xor3A_161 = arith.xori %iota3A, %xor3A_160 : vector<16xi32>
    %gather3A_162 = tpu.vector_load_idx %arg8[%xor3A_161] : memref<16xf32, #tpu.memory_space<vmem>>[vector<16xi32>], vector<16xf32>,
    %xor3A_163 = arith.constant 1 : i32
    %xor3A_164 = vector.broadcast %xor3A_163 : i32 to vector<16xi32>
    %xor3A_165 = arith.xori %iota3A, %xor3A_164 : vector<16xi32>
    %gather3A_166 = tpu.vector_load_idx %arg9[%xor3A_165] : memref<16xi32, #tpu.memory_space<vmem>>[vector<16xi32>], vector<16xi32>,
    %gt3A_167 = arith.cmpf ogt, %gather3A_162, %select_n3A_153 : vector<16xf32>
    %eq3A_168 = arith.cmpf oeq, %gather3A_162, %select_n3A_153 : vector<16xf32>
    %lt3A_169 = arith.cmpi slt, %gather3A_166, %select_n3A_154 : vector<16xi32>
    %and3A_170 = arith.andi %eq3A_168, %lt3A_169 : vector<16xi1>
    %or3A_171 = arith.ori %gt3A_167, %and3A_170 : vector<16xi1>
    %select_n3A_172 = arith.select %or3A_171, %gather3A_162, %select_n3A_153 : vector<16xi1>, vector<16xf32>
    %select_n3A_173 = arith.select %or3A_171, %gather3A_166, %select_n3A_154 : vector<16xi1>, vector<16xi32>
    %eq3A_174 = arith.constant 0 : i32
    %eq3A_175 = vector.broadcast %eq3A_174 : i32 to vector<16xi32>
    %eq3A_176 = arith.cmpi eq, %iota3A, %eq3A_175 : vector<16xi32>
    %select_n3A_177 = arith.select %eq3A_176, %select_n3A_173, %broadcast_in_dim3A_24 : vector<16xi1>, vector<16xi32>
    %dma_wait3A_178 = arith.constant 0 : i32
    %dma_wait3A_179 = tpu.memref_slice %arg2[%add3A_16, %dma_wait3A_178] : memref<128x32768xf32, #tpu.memory_space<hbm>> -> memref<1x32768xf32, #tpu.memory_space<hbm>>
    %dma_wait3A_180 = tpu.memref_squeeze %dma_wait3A_179 : memref<1x32768xf32, #tpu.memory_space<hbm>> -> memref<32768xf32, #tpu.memory_space<hbm>>
    %dma_wait3A_181 = arith.constant 0 : i32
    %dma_wait3A_182 = tpu.memref_slice %arg2[%add3A_16, %dma_wait3A_181] : memref<128x32768xf32, #tpu.memory_space<hbm>> -> memref<1x32768xf32, #tpu.memory_space<hbm>>
    %dma_wait3A_183 = tpu.memref_squeeze %dma_wait3A_182 : memref<1x32768xf32, #tpu.memory_space<hbm>> -> memref<32768xf32, #tpu.memory_space<hbm>>
    tpu.wait_dma2 semaphore(%arg11 : memref<!tpu.dma_semaphore, #tpu.memory_space<semaphore_mem>>) src(%dma_wait3A_183 : memref<32768xf32, #tpu.memory_space<hbm>>) dst(%arg5 : memref<32768xf32, #tpu.memory_space<vmem>>)
    %parallel_loop3A_184 = arith.constant 0 : i32
    %parallel_loop3A_185 = arith.constant 32 : i32
    %parallel_loop3A_186 = arith.constant 1 : i32
    %parallel_loop3A_187 = scf.for %parallel_loop3A_348 = %parallel_loop3A_184 to %parallel_loop3A_185 step %parallel_loop3A_186 iter_args(%parallel_loop3A_349 = %broadcast_in_dim3A_5) -> (vector<16xf32>)  : i32 {
      %parallel_loop3A_350 = arith.constant 1024 : i32
      %parallel_loop3A_351 = arith.muli %parallel_loop3A_348, %parallel_loop3A_350 : i32
      %parallel_loop3A_352 = arith.constant 0 : i32
      %parallel_loop3A_353 = arith.constant 64 : i32
      %parallel_loop3A_354 = arith.constant 8 : i32
      %parallel_loop3A_355:8 = scf.for %parallel_loop3A_368 = %parallel_loop3A_352 to %parallel_loop3A_353 step %parallel_loop3A_354 iter_args(%parallel_loop3A_369 = %broadcast_in_dim3A_5, %parallel_loop3A_370 = %broadcast_in_dim3A_5, %parallel_loop3A_371 = %broadcast_in_dim3A_5, %parallel_loop3A_372 = %broadcast_in_dim3A_5, %parallel_loop3A_373 = %broadcast_in_dim3A_5, %parallel_loop3A_374 = %broadcast_in_dim3A_5, %parallel_loop3A_375 = %broadcast_in_dim3A_5, %parallel_loop3A_376 = %broadcast_in_dim3A_5) -> (vector<16xf32>, vector<16xf32>, vector<16xf32>, vector<16xf32>, vector<16xf32>, vector<16xf32>, vector<16xf32>, vector<16xf32>)  : i32 {
        %parallel_loop3A_377 = arith.constant 0 : i32
        %parallel_loop3A_378 = arith.addi %parallel_loop3A_368, %parallel_loop3A_377 : i32
        %parallel_loop3A_379 = arith.constant 16 : i32
        %parallel_loop3A_380 = arith.muli %parallel_loop3A_378, %parallel_loop3A_379 : i32
        %parallel_loop3A_381 = arith.addi %parallel_loop3A_351, %parallel_loop3A_380 : i32
        %parallel_loop3A_382 = arith.index_cast %parallel_loop3A_381 : i32 to index
        %parallel_loop3A_383 = tpu.vector_load %arg5[%parallel_loop3A_382] {strides = array<i32>} : memref<32768xf32, #tpu.memory_space<vmem>>, vector<16xf32>,
        %parallel_loop3A_384 = arith.maximumf %parallel_loop3A_369, %parallel_loop3A_383 : vector<16xf32>
        %parallel_loop3A_385 = arith.constant 1 : i32
        %parallel_loop3A_386 = arith.addi %parallel_loop3A_368, %parallel_loop3A_385 : i32
        %parallel_loop3A_387 = arith.constant 16 : i32
        %parallel_loop3A_388 = arith.muli %parallel_loop3A_386, %parallel_loop3A_387 : i32
        %parallel_loop3A_389 = arith.addi %parallel_loop3A_351, %parallel_loop3A_388 : i32
        %parallel_loop3A_390 = arith.index_cast %parallel_loop3A_389 : i32 to index
        %parallel_loop3A_391 = tpu.vector_load %arg5[%parallel_loop3A_390] {strides = array<i32>} : memref<32768xf32, #tpu.memory_space<vmem>>, vector<16xf32>,
        %parallel_loop3A_392 = arith.maximumf %parallel_loop3A_370, %parallel_loop3A_391 : vector<16xf32>
        %parallel_loop3A_393 = arith.constant 2 : i32
        %parallel_loop3A_394 = arith.addi %parallel_loop3A_368, %parallel_loop3A_393 : i32
        %parallel_loop3A_395 = arith.constant 16 : i32
        %parallel_loop3A_396 = arith.muli %parallel_loop3A_394, %parallel_loop3A_395 : i32
        %parallel_loop3A_397 = arith.addi %parallel_loop3A_351, %parallel_loop3A_396 : i32
        %parallel_loop3A_398 = arith.index_cast %parallel_loop3A_397 : i32 to index
        %parallel_loop3A_399 = tpu.vector_load %arg5[%parallel_loop3A_398] {strides = array<i32>} : memref<32768xf32, #tpu.memory_space<vmem>>, vector<16xf32>,
        %parallel_loop3A_400 = arith.maximumf %parallel_loop3A_371, %parallel_loop3A_399 : vector<16xf32>
        %parallel_loop3A_401 = arith.constant 3 : i32
        %parallel_loop3A_402 = arith.addi %parallel_loop3A_368, %parallel_loop3A_401 : i32
        %parallel_loop3A_403 = arith.constant 16 : i32
        %parallel_loop3A_404 = arith.muli %parallel_loop3A_402, %parallel_loop3A_403 : i32
        %parallel_loop3A_405 = arith.addi %parallel_loop3A_351, %parallel_loop3A_404 : i32
        %parallel_loop3A_406 = arith.index_cast %parallel_loop3A_405 : i32 to index
        %parallel_loop3A_407 = tpu.vector_load %arg5[%parallel_loop3A_406] {strides = array<i32>} : memref<32768xf32, #tpu.memory_space<vmem>>, vector<16xf32>,
        %parallel_loop3A_408 = arith.maximumf %parallel_loop3A_372, %parallel_loop3A_407 : vector<16xf32>
        %parallel_loop3A_409 = arith.constant 4 : i32
        %parallel_loop3A_410 = arith.addi %parallel_loop3A_368, %parallel_loop3A_409 : i32
        %parallel_loop3A_411 = arith.constant 16 : i32
        %parallel_loop3A_412 = arith.muli %parallel_loop3A_410, %parallel_loop3A_411 : i32
        %parallel_loop3A_413 = arith.addi %parallel_loop3A_351, %parallel_loop3A_412 : i32
        %parallel_loop3A_414 = arith.index_cast %parallel_loop3A_413 : i32 to index
        %parallel_loop3A_415 = tpu.vector_load %arg5[%parallel_loop3A_414] {strides = array<i32>} : memref<32768xf32, #tpu.memory_space<vmem>>, vector<16xf32>,
        %parallel_loop3A_416 = arith.maximumf %parallel_loop3A_373, %parallel_loop3A_415 : vector<16xf32>
        %parallel_loop3A_417 = arith.constant 5 : i32
        %parallel_loop3A_418 = arith.addi %parallel_loop3A_368, %parallel_loop3A_417 : i32
        %parallel_loop3A_419 = arith.constant 16 : i32
        %parallel_loop3A_420 = arith.muli %parallel_loop3A_418, %parallel_loop3A_419 : i32
        %parallel_loop3A_421 = arith.addi %parallel_loop3A_351, %parallel_loop3A_420 : i32
        %parallel_loop3A_422 = arith.index_cast %parallel_loop3A_421 : i32 to index
        %parallel_loop3A_423 = tpu.vector_load %arg5[%parallel_loop3A_422] {strides = array<i32>} : memref<32768xf32, #tpu.memory_space<vmem>>, vector<16xf32>,
        %parallel_loop3A_424 = arith.maximumf %parallel_loop3A_374, %parallel_loop3A_423 : vector<16xf32>
        %parallel_loop3A_425 = arith.constant 6 : i32
        %parallel_loop3A_426 = arith.addi %parallel_loop3A_368, %parallel_loop3A_425 : i32
        %parallel_loop3A_427 = arith.constant 16 : i32
        %parallel_loop3A_428 = arith.muli %parallel_loop3A_426, %parallel_loop3A_427 : i32
        %parallel_loop3A_429 = arith.addi %parallel_loop3A_351, %parallel_loop3A_428 : i32
        %parallel_loop3A_430 = arith.index_cast %parallel_loop3A_429 : i32 to index
        %parallel_loop3A_431 = tpu.vector_load %arg5[%parallel_loop3A_430] {strides = array<i32>} : memref<32768xf32, #tpu.memory_space<vmem>>, vector<16xf32>,
        %parallel_loop3A_432 = arith.maximumf %parallel_loop3A_375, %parallel_loop3A_431 : vector<16xf32>
        %parallel_loop3A_433 = arith.constant 7 : i32
        %parallel_loop3A_434 = arith.addi %parallel_loop3A_368, %parallel_loop3A_433 : i32
        %parallel_loop3A_435 = arith.constant 16 : i32
        %parallel_loop3A_436 = arith.muli %parallel_loop3A_434, %parallel_loop3A_435 : i32
        %parallel_loop3A_437 = arith.addi %parallel_loop3A_351, %parallel_loop3A_436 : i32
        %parallel_loop3A_438 = arith.index_cast %parallel_loop3A_437 : i32 to index
        %parallel_loop3A_439 = tpu.vector_load %arg5[%parallel_loop3A_438] {strides = array<i32>} : memref<32768xf32, #tpu.memory_space<vmem>>, vector<16xf32>,
        %parallel_loop3A_440 = arith.maximumf %parallel_loop3A_376, %parallel_loop3A_439 : vector<16xf32>
        scf.yield %parallel_loop3A_384, %parallel_loop3A_392, %parallel_loop3A_400, %parallel_loop3A_408, %parallel_loop3A_416, %parallel_loop3A_424, %parallel_loop3A_432, %parallel_loop3A_440 : vector<16xf32>, vector<16xf32>, vector<16xf32>, vector<16xf32>, vector<16xf32>, vector<16xf32>, vector<16xf32>, vector<16xf32>
      } {sc.loop_unroll_factor = 4 : i64, sc.parallel_access}
      %parallel_loop3A_356 = arith.maximumf %parallel_loop3A_355#0, %parallel_loop3A_355#1 : vector<16xf32>
      %parallel_loop3A_357 = arith.maximumf %parallel_loop3A_355#2, %parallel_loop3A_355#3 : vector<16xf32>
      %parallel_loop3A_358 = arith.maximumf %parallel_loop3A_356, %parallel_loop3A_357 : vector<16xf32>
      %parallel_loop3A_359 = arith.maximumf %parallel_loop3A_355#4, %parallel_loop3A_355#5 : vector<16xf32>
      %parallel_loop3A_360 = arith.maximumf %parallel_loop3A_355#6, %parallel_loop3A_355#7 : vector<16xf32>
      %parallel_loop3A_361 = arith.maximumf %parallel_loop3A_359, %parallel_loop3A_360 : vector<16xf32>
      %parallel_loop3A_362 = arith.maximumf %parallel_loop3A_358, %parallel_loop3A_361 : vector<16xf32>
      %parallel_loop3A_363 = arith.constant 16 : i32
      %parallel_loop3A_364 = arith.muli %parallel_loop3A_348, %parallel_loop3A_363 : i32
      %parallel_loop3A_365 = arith.index_cast %parallel_loop3A_364 : i32 to index
      %parallel_loop3A_366 = tpu.vector_load %arg6[%parallel_loop3A_365] {strides = array<i32>} : memref<512xf32, #tpu.memory_space<vmem>>, vector<16xf32>,
      tpu.vector_store %arg6[%parallel_loop3A_365], %parallel_loop3A_362 {strides = array<i32>} : memref<512xf32, #tpu.memory_space<vmem>>, vector<16xf32>,
      %parallel_loop3A_367 = arith.maximumf %parallel_loop3A_349, %parallel_loop3A_362 : vector<16xf32>
      scf.yield %parallel_loop3A_367 : vector<16xf32>
    } {sc.loop_unroll_factor = 1 : i64, sc.parallel_access}
    %swap3A_188 = arith.constant 0 : index
    %swap3A_189 = tpu.vector_load %arg8[%swap3A_188] {strides = array<i32>} : memref<16xf32, #tpu.memory_space<vmem>>, vector<16xf32>,
    tpu.vector_store %arg8[%swap3A_188], %parallel_loop3A_187 {strides = array<i32>} : memref<16xf32, #tpu.memory_space<vmem>>, vector<16xf32>,
    %xor3A_190 = arith.constant 8 : i32
    %xor3A_191 = vector.broadcast %xor3A_190 : i32 to vector<16xi32>
    %xor3A_192 = arith.xori %iota3A, %xor3A_191 : vector<16xi32>
    %gather3A_193 = tpu.vector_load_idx %arg8[%xor3A_192] : memref<16xf32, #tpu.memory_space<vmem>>[vector<16xi32>], vector<16xf32>,
    %max3A_194 = arith.maximumf %parallel_loop3A_187, %gather3A_193 : vector<16xf32>
    %swap3A_195 = arith.constant 0 : index
    %swap3A_196 = tpu.vector_load %arg8[%swap3A_195] {strides = array<i32>} : memref<16xf32, #tpu.memory_space<vmem>>, vector<16xf32>,
    tpu.vector_store %arg8[%swap3A_195], %max3A_194 {strides = array<i32>} : memref<16xf32, #tpu.memory_space<vmem>>, vector<16xf32>,
    %xor3A_197 = arith.constant 4 : i32
    %xor3A_198 = vector.broadcast %xor3A_197 : i32 to vector<16xi32>
    %xor3A_199 = arith.xori %iota3A, %xor3A_198 : vector<16xi32>
    %gather3A_200 = tpu.vector_load_idx %arg8[%xor3A_199] : memref<16xf32, #tpu.memory_space<vmem>>[vector<16xi32>], vector<16xf32>,
    %max3A_201 = arith.maximumf %max3A_194, %gather3A_200 : vector<16xf32>
    %swap3A_202 = arith.constant 0 : index
    %swap3A_203 = tpu.vector_load %arg8[%swap3A_202] {strides = array<i32>} : memref<16xf32, #tpu.memory_space<vmem>>, vector<16xf32>,
    tpu.vector_store %arg8[%swap3A_202], %max3A_201 {strides = array<i32>} : memref<16xf32, #tpu.memory_space<vmem>>, vector<16xf32>,
    %xor3A_204 = arith.constant 2 : i32
    %xor3A_205 = vector.broadcast %xor3A_204 : i32 to vector<16xi32>
    %xor3A_206 = arith.xori %iota3A, %xor3A_205 : vector<16xi32>
    %gather3A_207 = tpu.vector_load_idx %arg8[%xor3A_206] : memref<16xf32, #tpu.memory_space<vmem>>[vector<16xi32>], vector<16xf32>,
    %max3A_208 = arith.maximumf %max3A_201, %gather3A_207 : vector<16xf32>
    %swap3A_209 = arith.constant 0 : index
    %swap3A_210 = tpu.vector_load %arg8[%swap3A_209] {strides = array<i32>} : memref<16xf32, #tpu.memory_space<vmem>>, vector<16xf32>,
    tpu.vector_store %arg8[%swap3A_209], %max3A_208 {strides = array<i32>} : memref<16xf32, #tpu.memory_space<vmem>>, vector<16xf32>,
    %xor3A_211 = arith.constant 1 : i32
    %xor3A_212 = vector.broadcast %xor3A_211 : i32 to vector<16xi32>
    %xor3A_213 = arith.xori %iota3A, %xor3A_212 : vector<16xi32>
    %gather3A_214 = tpu.vector_load_idx %arg8[%xor3A_213] : memref<16xf32, #tpu.memory_space<vmem>>[vector<16xi32>], vector<16xf32>,
    %max3A_215 = arith.maximumf %max3A_208, %gather3A_214 : vector<16xf32>
    %parallel_loop3A_216 = arith.constant 0 : i32
    %parallel_loop3A_217 = arith.constant 32 : i32
    %parallel_loop3A_218 = arith.constant 1 : i32
    %parallel_loop3A_219 = scf.for %parallel_loop3A_348 = %parallel_loop3A_216 to %parallel_loop3A_217 step %parallel_loop3A_218 iter_args(%parallel_loop3A_349 = %broadcast_in_dim3A_7) -> (vector<16xi32>)  : i32 {
      %parallel_loop3A_350 = arith.constant 16 : i32
      %parallel_loop3A_351 = arith.muli %parallel_loop3A_348, %parallel_loop3A_350 : i32
      %parallel_loop3A_352 = arith.index_cast %parallel_loop3A_351 : i32 to index
      %parallel_loop3A_353 = tpu.vector_load %arg6[%parallel_loop3A_352] {strides = array<i32>} : memref<512xf32, #tpu.memory_space<vmem>>, vector<16xf32>,
      %parallel_loop3A_354 = arith.cmpf oeq, %parallel_loop3A_353, %max3A_215 : vector<16xf32>
      %parallel_loop3A_355 = vector.broadcast %parallel_loop3A_348 : i32 to vector<16xi32>
      %parallel_loop3A_356 = arith.select %parallel_loop3A_354, %parallel_loop3A_355, %broadcast_in_dim3A_7 : vector<16xi1>, vector<16xi32>
      %parallel_loop3A_357 = arith.minsi %parallel_loop3A_349, %parallel_loop3A_356 : vector<16xi32>
      scf.yield %parallel_loop3A_357 : vector<16xi32>
    } {sc.loop_unroll_factor = 4 : i64, sc.parallel_access}
    %swap3A_220 = arith.constant 0 : index
    %swap3A_221 = tpu.vector_load %arg9[%swap3A_220] {strides = array<i32>} : memref<16xi32, #tpu.memory_space<vmem>>, vector<16xi32>,
    tpu.vector_store %arg9[%swap3A_220], %parallel_loop3A_219 {strides = array<i32>} : memref<16xi32, #tpu.memory_space<vmem>>, vector<16xi32>,
    %xor3A_222 = arith.constant 8 : i32
    %xor3A_223 = vector.broadcast %xor3A_222 : i32 to vector<16xi32>
    %xor3A_224 = arith.xori %iota3A, %xor3A_223 : vector<16xi32>
    %gather3A_225 = tpu.vector_load_idx %arg9[%xor3A_224] : memref<16xi32, #tpu.memory_space<vmem>>[vector<16xi32>], vector<16xi32>,
    %min3A_226 = arith.minsi %parallel_loop3A_219, %gather3A_225 : vector<16xi32>
    %swap3A_227 = arith.constant 0 : index
    %swap3A_228 = tpu.vector_load %arg9[%swap3A_227] {strides = array<i32>} : memref<16xi32, #tpu.memory_space<vmem>>, vector<16xi32>,
    tpu.vector_store %arg9[%swap3A_227], %min3A_226 {strides = array<i32>} : memref<16xi32, #tpu.memory_space<vmem>>, vector<16xi32>,
    %xor3A_229 = arith.constant 4 : i32
    %xor3A_230 = vector.broadcast %xor3A_229 : i32 to vector<16xi32>
    %xor3A_231 = arith.xori %iota3A, %xor3A_230 : vector<16xi32>
    %gather3A_232 = tpu.vector_load_idx %arg9[%xor3A_231] : memref<16xi32, #tpu.memory_space<vmem>>[vector<16xi32>], vector<16xi32>,
    %min3A_233 = arith.minsi %min3A_226, %gather3A_232 : vector<16xi32>
    %swap3A_234 = arith.constant 0 : index
    %swap3A_235 = tpu.vector_load %arg9[%swap3A_234] {strides = array<i32>} : memref<16xi32, #tpu.memory_space<vmem>>, vector<16xi32>,
    tpu.vector_store %arg9[%swap3A_234], %min3A_233 {strides = array<i32>} : memref<16xi32, #tpu.memory_space<vmem>>, vector<16xi32>,
    %xor3A_236 = arith.constant 2 : i32
    %xor3A_237 = vector.broadcast %xor3A_236 : i32 to vector<16xi32>
    %xor3A_238 = arith.xori %iota3A, %xor3A_237 : vector<16xi32>
    %gather3A_239 = tpu.vector_load_idx %arg9[%xor3A_238] : memref<16xi32, #tpu.memory_space<vmem>>[vector<16xi32>], vector<16xi32>,
    %min3A_240 = arith.minsi %min3A_233, %gather3A_239 : vector<16xi32>
    %swap3A_241 = arith.constant 0 : index
    %swap3A_242 = tpu.vector_load %arg9[%swap3A_241] {strides = array<i32>} : memref<16xi32, #tpu.memory_space<vmem>>, vector<16xi32>,
    tpu.vector_store %arg9[%swap3A_241], %min3A_240 {strides = array<i32>} : memref<16xi32, #tpu.memory_space<vmem>>, vector<16xi32>,
    %xor3A_243 = arith.constant 1 : i32
    %xor3A_244 = vector.broadcast %xor3A_243 : i32 to vector<16xi32>
    %xor3A_245 = arith.xori %iota3A, %xor3A_244 : vector<16xi32>
    %gather3A_246 = tpu.vector_load_idx %arg9[%xor3A_245] : memref<16xi32, #tpu.memory_space<vmem>>[vector<16xi32>], vector<16xi32>,
    %min3A_247 = arith.minsi %min3A_240, %gather3A_246 : vector<16xi32>
    %slice3A_248 = vector.extract_strided_slice %min3A_247 {offsets = [0], sizes = [1], strides = [1]} : vector<16xi32> to vector<1xi32>
    %squeeze3A_249 = vector.extract %slice3A_248[0] : i32 from vector<1xi32>
    %mul3A_250 = arith.constant 1024 : i32
    %mul3A_251 = arith.muli %squeeze3A_249, %mul3A_250 : i32
    %broadcast_in_dim3A_252 = arith.constant 0 : i32
    %broadcast_in_dim3A_253 = vector.broadcast %broadcast_in_dim3A_252 : i32 to vector<16xi32>
    %parallel_loop3A_254 = arith.constant 0 : i32
    %parallel_loop3A_255 = arith.constant 64 : i32
    %parallel_loop3A_256 = arith.constant 1 : i32
    %parallel_loop3A_257:2 = scf.for %parallel_loop3A_348 = %parallel_loop3A_254 to %parallel_loop3A_255 step %parallel_loop3A_256 iter_args(%parallel_loop3A_349 = %broadcast_in_dim3A_5, %parallel_loop3A_350 = %broadcast_in_dim3A_253) -> (vector<16xf32>, vector<16xi32>)  : i32 {
      %parallel_loop3A_351 = arith.constant 16 : i32
      %parallel_loop3A_352 = arith.muli %parallel_loop3A_348, %parallel_loop3A_351 : i32
      %parallel_loop3A_353 = arith.addi %mul3A_251, %parallel_loop3A_352 : i32
      %parallel_loop3A_354 = arith.index_cast %parallel_loop3A_353 : i32 to index
      %parallel_loop3A_355 = tpu.vector_load %arg5[%parallel_loop3A_354] {strides = array<i32>} : memref<32768xf32, #tpu.memory_space<vmem>>, vector<16xf32>,
      %parallel_loop3A_356 = arith.cmpf ogt, %parallel_loop3A_355, %parallel_loop3A_349 : vector<16xf32>
      %parallel_loop3A_357 = arith.select %parallel_loop3A_356, %parallel_loop3A_355, %parallel_loop3A_349 : vector<16xi1>, vector<16xf32>
      %parallel_loop3A_358 = vector.broadcast %parallel_loop3A_348 : i32 to vector<16xi32>
      %parallel_loop3A_359 = arith.select %parallel_loop3A_356, %parallel_loop3A_358, %parallel_loop3A_350 : vector<16xi1>, vector<16xi32>
      scf.yield %parallel_loop3A_357, %parallel_loop3A_359 : vector<16xf32>, vector<16xi32>
    } {sc.loop_unroll_factor = 2 : i64, sc.parallel_access}
    %mul3A_258 = arith.constant 64 : i32
    %mul3A_259 = arith.muli %squeeze3A_249, %mul3A_258 : i32
    %add3A_260 = vector.broadcast %mul3A_259 : i32 to vector<16xi32>
    %add3A_261 = arith.addi %add3A_260, %parallel_loop3A_257#1 : vector<16xi32>
    %mul3A_262 = arith.constant 16 : i32
    %mul3A_263 = vector.broadcast %mul3A_262 : i32 to vector<16xi32>
    %mul3A_264 = arith.muli %add3A_261, %mul3A_263 : vector<16xi32>
    %add3A_265 = arith.addi %mul3A_264, %iota3A : vector<16xi32>
    %swap3A_266 = arith.constant 0 : index
    %swap3A_267 = tpu.vector_load %arg8[%swap3A_266] {strides = array<i32>} : memref<16xf32, #tpu.memory_space<vmem>>, vector<16xf32>,
    tpu.vector_store %arg8[%swap3A_266], %parallel_loop3A_257#0 {strides = array<i32>} : memref<16xf32, #tpu.memory_space<vmem>>, vector<16xf32>,
    %swap3A_268 = arith.constant 0 : index
    %swap3A_269 = tpu.vector_load %arg9[%swap3A_268] {strides = array<i32>} : memref<16xi32, #tpu.memory_space<vmem>>, vector<16xi32>,
    tpu.vector_store %arg9[%swap3A_268], %add3A_265 {strides = array<i32>} : memref<16xi32, #tpu.memory_space<vmem>>, vector<16xi32>,
    %xor3A_270 = arith.constant 8 : i32
    %xor3A_271 = vector.broadcast %xor3A_270 : i32 to vector<16xi32>
    %xor3A_272 = arith.xori %iota3A, %xor3A_271 : vector<16xi32>
    %gather3A_273 = tpu.vector_load_idx %arg8[%xor3A_272] : memref<16xf32, #tpu.memory_space<vmem>>[vector<16xi32>], vector<16xf32>,
    %xor3A_274 = arith.constant 8 : i32
    %xor3A_275 = vector.broadcast %xor3A_274 : i32 to vector<16xi32>
    %xor3A_276 = arith.xori %iota3A, %xor3A_275 : vector<16xi32>
    %gather3A_277 = tpu.vector_load_idx %arg9[%xor3A_276] : memref<16xi32, #tpu.memory_space<vmem>>[vector<16xi32>], vector<16xi32>,
    %gt3A_278 = arith.cmpf ogt, %gather3A_273, %parallel_loop3A_257#0 : vector<16xf32>
    %eq3A_279 = arith.cmpf oeq, %gather3A_273, %parallel_loop3A_257#0 : vector<16xf32>
    %lt3A_280 = arith.cmpi slt, %gather3A_277, %add3A_265 : vector<16xi32>
    %and3A_281 = arith.andi %eq3A_279, %lt3A_280 : vector<16xi1>
    %or3A_282 = arith.ori %gt3A_278, %and3A_281 : vector<16xi1>
    %select_n3A_283 = arith.select %or3A_282, %gather3A_273, %parallel_loop3A_257#0 : vector<16xi1>, vector<16xf32>
    %select_n3A_284 = arith.select %or3A_282, %gather3A_277, %add3A_265 : vector<16xi1>, vector<16xi32>
    %swap3A_285 = arith.constant 0 : index
    %swap3A_286 = tpu.vector_load %arg8[%swap3A_285] {strides = array<i32>} : memref<16xf32, #tpu.memory_space<vmem>>, vector<16xf32>,
    tpu.vector_store %arg8[%swap3A_285], %select_n3A_283 {strides = array<i32>} : memref<16xf32, #tpu.memory_space<vmem>>, vector<16xf32>,
    %swap3A_287 = arith.constant 0 : index
    %swap3A_288 = tpu.vector_load %arg9[%swap3A_287] {strides = array<i32>} : memref<16xi32, #tpu.memory_space<vmem>>, vector<16xi32>,
    tpu.vector_store %arg9[%swap3A_287], %select_n3A_284 {strides = array<i32>} : memref<16xi32, #tpu.memory_space<vmem>>, vector<16xi32>,
    %xor3A_289 = arith.constant 4 : i32
    %xor3A_290 = vector.broadcast %xor3A_289 : i32 to vector<16xi32>
    %xor3A_291 = arith.xori %iota3A, %xor3A_290 : vector<16xi32>
    %gather3A_292 = tpu.vector_load_idx %arg8[%xor3A_291] : memref<16xf32, #tpu.memory_space<vmem>>[vector<16xi32>], vector<16xf32>,
    %xor3A_293 = arith.constant 4 : i32
    %xor3A_294 = vector.broadcast %xor3A_293 : i32 to vector<16xi32>
    %xor3A_295 = arith.xori %iota3A, %xor3A_294 : vector<16xi32>
    %gather3A_296 = tpu.vector_load_idx %arg9[%xor3A_295] : memref<16xi32, #tpu.memory_space<vmem>>[vector<16xi32>], vector<16xi32>,
    %gt3A_297 = arith.cmpf ogt, %gather3A_292, %select_n3A_283 : vector<16xf32>
    %eq3A_298 = arith.cmpf oeq, %gather3A_292, %select_n3A_283 : vector<16xf32>
    %lt3A_299 = arith.cmpi slt, %gather3A_296, %select_n3A_284 : vector<16xi32>
    %and3A_300 = arith.andi %eq3A_298, %lt3A_299 : vector<16xi1>
    %or3A_301 = arith.ori %gt3A_297, %and3A_300 : vector<16xi1>
    %select_n3A_302 = arith.select %or3A_301, %gather3A_292, %select_n3A_283 : vector<16xi1>, vector<16xf32>
    %select_n3A_303 = arith.select %or3A_301, %gather3A_296, %select_n3A_284 : vector<16xi1>, vector<16xi32>
    %swap3A_304 = arith.constant 0 : index
    %swap3A_305 = tpu.vector_load %arg8[%swap3A_304] {strides = array<i32>} : memref<16xf32, #tpu.memory_space<vmem>>, vector<16xf32>,
    tpu.vector_store %arg8[%swap3A_304], %select_n3A_302 {strides = array<i32>} : memref<16xf32, #tpu.memory_space<vmem>>, vector<16xf32>,
    %swap3A_306 = arith.constant 0 : index
    %swap3A_307 = tpu.vector_load %arg9[%swap3A_306] {strides = array<i32>} : memref<16xi32, #tpu.memory_space<vmem>>, vector<16xi32>,
    tpu.vector_store %arg9[%swap3A_306], %select_n3A_303 {strides = array<i32>} : memref<16xi32, #tpu.memory_space<vmem>>, vector<16xi32>,
    %xor3A_308 = arith.constant 2 : i32
    %xor3A_309 = vector.broadcast %xor3A_308 : i32 to vector<16xi32>
    %xor3A_310 = arith.xori %iota3A, %xor3A_309 : vector<16xi32>
    %gather3A_311 = tpu.vector_load_idx %arg8[%xor3A_310] : memref<16xf32, #tpu.memory_space<vmem>>[vector<16xi32>], vector<16xf32>,
    %xor3A_312 = arith.constant 2 : i32
    %xor3A_313 = vector.broadcast %xor3A_312 : i32 to vector<16xi32>
    %xor3A_314 = arith.xori %iota3A, %xor3A_313 : vector<16xi32>
    %gather3A_315 = tpu.vector_load_idx %arg9[%xor3A_314] : memref<16xi32, #tpu.memory_space<vmem>>[vector<16xi32>], vector<16xi32>,
    %gt3A_316 = arith.cmpf ogt, %gather3A_311, %select_n3A_302 : vector<16xf32>
    %eq3A_317 = arith.cmpf oeq, %gather3A_311, %select_n3A_302 : vector<16xf32>
    %lt3A_318 = arith.cmpi slt, %gather3A_315, %select_n3A_303 : vector<16xi32>
    %and3A_319 = arith.andi %eq3A_317, %lt3A_318 : vector<16xi1>
    %or3A_320 = arith.ori %gt3A_316, %and3A_319 : vector<16xi1>
    %select_n3A_321 = arith.select %or3A_320, %gather3A_311, %select_n3A_302 : vector<16xi1>, vector<16xf32>
    %select_n3A_322 = arith.select %or3A_320, %gather3A_315, %select_n3A_303 : vector<16xi1>, vector<16xi32>
    %swap3A_323 = arith.constant 0 : index
    %swap3A_324 = tpu.vector_load %arg8[%swap3A_323] {strides = array<i32>} : memref<16xf32, #tpu.memory_space<vmem>>, vector<16xf32>,
    tpu.vector_store %arg8[%swap3A_323], %select_n3A_321 {strides = array<i32>} : memref<16xf32, #tpu.memory_space<vmem>>, vector<16xf32>,
    %swap3A_325 = arith.constant 0 : index
    %swap3A_326 = tpu.vector_load %arg9[%swap3A_325] {strides = array<i32>} : memref<16xi32, #tpu.memory_space<vmem>>, vector<16xi32>,
    tpu.vector_store %arg9[%swap3A_325], %select_n3A_322 {strides = array<i32>} : memref<16xi32, #tpu.memory_space<vmem>>, vector<16xi32>,
    %xor3A_327 = arith.constant 1 : i32
    %xor3A_328 = vector.broadcast %xor3A_327 : i32 to vector<16xi32>
    %xor3A_329 = arith.xori %iota3A, %xor3A_328 : vector<16xi32>
    %gather3A_330 = tpu.vector_load_idx %arg8[%xor3A_329] : memref<16xf32, #tpu.memory_space<vmem>>[vector<16xi32>], vector<16xf32>,
    %xor3A_331 = arith.constant 1 : i32
    %xor3A_332 = vector.broadcast %xor3A_331 : i32 to vector<16xi32>
    %xor3A_333 = arith.xori %iota3A, %xor3A_332 : vector<16xi32>
    %gather3A_334 = tpu.vector_load_idx %arg9[%xor3A_333] : memref<16xi32, #tpu.memory_space<vmem>>[vector<16xi32>], vector<16xi32>,
    %gt3A_335 = arith.cmpf ogt, %gather3A_330, %select_n3A_321 : vector<16xf32>
    %eq3A_336 = arith.cmpf oeq, %gather3A_330, %select_n3A_321 : vector<16xf32>
    %lt3A_337 = arith.cmpi slt, %gather3A_334, %select_n3A_322 : vector<16xi32>
    %and3A_338 = arith.andi %eq3A_336, %lt3A_337 : vector<16xi1>
    %or3A_339 = arith.ori %gt3A_335, %and3A_338 : vector<16xi1>
    %select_n3A_340 = arith.select %or3A_339, %gather3A_330, %select_n3A_321 : vector<16xi1>, vector<16xf32>
    %select_n3A_341 = arith.select %or3A_339, %gather3A_334, %select_n3A_322 : vector<16xi1>, vector<16xi32>
    %eq3A_342 = arith.constant 1 : i32
    %eq3A_343 = vector.broadcast %eq3A_342 : i32 to vector<16xi32>
    %eq3A_344 = arith.cmpi eq, %iota3A, %eq3A_343 : vector<16xi32>
    %select_n3A_345 = arith.select %eq3A_344, %select_n3A_341, %select_n3A_177 : vector<16xi1>, vector<16xi32>
    %swap3A_346 = arith.constant 0 : index
    %swap3A_347 = tpu.vector_load %arg7[%swap3A_346] {strides = array<i32>} : memref<16xi32, #tpu.memory_space<vmem>>, vector<16xi32>,
    tpu.vector_store %arg7[%swap3A_346], %select_n3A_345 {strides = array<i32>} : memref<16xi32, #tpu.memory_space<vmem>>, vector<16xi32>,
    "tpu.region"() ({
      %run_scoped3A = tpu.sem_alloc : memref<!tpu.dma_semaphore, #tpu.memory_space<semaphore_mem>>
      %dma_start3A_348 = arith.constant 0 : i32
      %dma_start3A_349 = tpu.memref_slice %arg3[%add3A, %dma_start3A_348] : memref<32x16xi32, #tpu.memory_space<hbm>> -> memref<1x16xi32, #tpu.memory_space<hbm>>
      %dma_start3A_350 = tpu.memref_squeeze %dma_start3A_349 : memref<1x16xi32, #tpu.memory_space<hbm>> -> memref<16xi32, #tpu.memory_space<hbm>>
      %dma_start3A_351 = arith.constant 0 : i32
      %dma_start3A_352 = tpu.memref_slice %arg3[%add3A, %dma_start3A_351] : memref<32x16xi32, #tpu.memory_space<hbm>> -> memref<1x16xi32, #tpu.memory_space<hbm>>
      %dma_start3A_353 = tpu.memref_squeeze %dma_start3A_352 : memref<1x16xi32, #tpu.memory_space<hbm>> -> memref<16xi32, #tpu.memory_space<hbm>>
      tpu.enqueue_dma source(%arg7 : memref<16xi32, #tpu.memory_space<vmem>>) target(%dma_start3A_353 : memref<16xi32, #tpu.memory_space<hbm>>) target_semaphore(%run_scoped3A : memref<!tpu.dma_semaphore, #tpu.memory_space<semaphore_mem>>)
      %dma_wait3A_354 = arith.constant 0 : i32
      %dma_wait3A_355 = tpu.memref_slice %arg3[%add3A, %dma_wait3A_354] : memref<32x16xi32, #tpu.memory_space<hbm>> -> memref<1x16xi32, #tpu.memory_space<hbm>>
      %dma_wait3A_356 = tpu.memref_squeeze %dma_wait3A_355 : memref<1x16xi32, #tpu.memory_space<hbm>> -> memref<16xi32, #tpu.memory_space<hbm>>
      %dma_wait3A_357 = arith.constant 0 : i32
      %dma_wait3A_358 = tpu.memref_slice %arg3[%add3A, %dma_wait3A_357] : memref<32x16xi32, #tpu.memory_space<hbm>> -> memref<1x16xi32, #tpu.memory_space<hbm>>
      %dma_wait3A_359 = tpu.memref_squeeze %dma_wait3A_358 : memref<1x16xi32, #tpu.memory_space<hbm>> -> memref<16xi32, #tpu.memory_space<hbm>>
      tpu.wait_dma2 semaphore(%run_scoped3A : memref<!tpu.dma_semaphore, #tpu.memory_space<semaphore_mem>>) src(%arg7 : memref<16xi32, #tpu.memory_space<vmem>>) dst(%dma_wait3A_359 : memref<16xi32, #tpu.memory_space<hbm>>)
      tpu.yield
    }) : () -> ()
    return
  }
}

module attributes {stable_mosaic.version = 14 : i64} {
  func.func @_tc_body(%arg0: i32, %arg1: memref<16x32768xf32, #tpu.memory_space<vmem>>, %arg2: memref<16x128xf32, #tpu.memory_space<vmem>>) attributes {dimension_semantics = [#tpu.dimension_semantics<arbitrary>], iteration_bounds = array<i64: 4>, scalar_prefetch = 0 : i64, scratch_operands = 0 : i64, tpu.core_type = #tpu.core_type<tc>, window_params = [{transform_indices = @transform_0, window_bounds = array<i64: 16, 32768>}, {transform_indices = @transform_1, window_bounds = array<i64: 16, 128>}]} {
    %get3A = arith.constant 0 : index
    %get3A_0 = arith.constant 0 : index
    %get3A_1 = vector.load %arg1[%get3A, %get3A_0] : memref<16x32768xf32, #tpu.memory_space<vmem>>, vector<16x32768xf32>
    %reduce_max3A = arith.constant dense<0xFF800000> : vector<16xf32>
    %reduce_max3A_2 = vector.multi_reduction <maximumf>, %get3A_1, %reduce_max3A [1] : vector<16x32768xf32> to vector<16xf32>
    %broadcast_in_dim3A = vector.shape_cast %reduce_max3A_2 : vector<16xf32> to vector<16x1xf32>
    %iota3A = tpu.iota {dimensions = array<i32: 1>} : vector<16x32768xi32>
    %eq3A = vector.broadcast %broadcast_in_dim3A : vector<16x1xf32> to vector<16x32768xf32>
    %eq3A_3 = arith.cmpf oeq, %get3A_1, %eq3A : vector<16x32768xf32>
    %jit3A = arith.constant 2147483647 : i32
    %broadcast_in_dim3A_4 = vector.broadcast %jit3A : i32 to vector<16x32768xi32>
    %select_n3A = arith.select %eq3A_3, %iota3A, %broadcast_in_dim3A_4 : vector<16x32768xi1>, vector<16x32768xi32>
    %reduce_min3A = arith.constant dense<2147483647> : vector<16xi32>
    %reduce_min3A_5 = vector.multi_reduction <minsi>, %select_n3A, %reduce_min3A [1] : vector<16x32768xi32> to vector<16xi32>
    %broadcast_in_dim3A_6 = vector.shape_cast %reduce_min3A_5 : vector<16xi32> to vector<16x1xi32>
    %convert_element_type3A = arith.sitofp %broadcast_in_dim3A_6 : vector<16x1xi32> to vector<16x1xf32>
    %broadcast_in_dim3A_7 = vector.shape_cast %convert_element_type3A : vector<16x1xf32> to vector<16x1xf32>
    %broadcast_in_dim3A_8 = vector.broadcast %broadcast_in_dim3A_7 : vector<16x1xf32> to vector<16x128xf32>
    %swap3A = arith.constant 0 : index
    %swap3A_9 = arith.constant 0 : index
    %swap3A_10 = vector.load %arg2[%swap3A, %swap3A_9] : memref<16x128xf32, #tpu.memory_space<vmem>>, vector<16x128xf32>
    tpu.vector_store %arg2[%swap3A, %swap3A_9], %broadcast_in_dim3A_8 {strides = array<i32>} : memref<16x128xf32, #tpu.memory_space<vmem>>, vector<16x128xf32>,
    return
  }
  func.func @transform_0(%arg0: i32) -> (i32, i32) {
    %c0_i32 = arith.constant 0 : i32
    %c0_i32_0 = arith.constant 0 : i32
    return %arg0, %c0_i32 : i32, i32
  }
  func.func @transform_1(%arg0: i32) -> (i32, i32) {
    %c0_i32 = arith.constant 0 : i32
    %c0_i32_0 = arith.constant 0 : i32
    return %arg0, %c0_i32 : i32, i32
  }
}

</mosaic_0001>

<sc_bundles>
// kernel: kernel.4.cloned.1.call-start
scs
__scs_entry_jumppad:
0x0: {  	(pc) =	sbr.rel $0x88, $3  }
0x1: {  	(tag) =	ssettag $0x0;
	lr =	simm.s32 $0x1  }
0x2: {  	[smem:$0x3FA0] =	sst lr;
	_ =	strace $0xD0000000  }
0x3: {  	_ = 	snop  }
0x4: {  	_ = 	snop  }
0x5: {  	_ = 	snop  }
0x6: {  	_ = 	snop  }
0x7: {  	_ = 	snop  }
__scs_overlays_trampoline_lowered:
0x8: {  	[smem:$0x3FAF] =	sst s0  }
0x9: {  	[smem:$0x3FB0] =	sst s1  }
0xa: {  	[smem:$0x3FB1] =	sst s2  }
0xb: {  	[smem:$0x3FB2] =	sst s3  }
0xc: {  	[smem:$0x3FB3] =	sst s4  }
0xd: {  	[smem:$0x3FB4] =	sst s5  }
0xe: {  	[smem:$0x3FB5] =	sst s6  }
0xf: {  	[smem:$0x3FB6] =	sst s7  }
0x10: {  	[smem:$0x3FB7] =	sst s8  }
0x11: {  	[smem:$0x3FB8] =	sst s9;
	s0 =	simm.s32 @!p0 $0x0  }
0x12: {  	s1 =	sld [smem:$0x3F9E];
	s0 =	simm.s32 @p0 $0x1  }
0x13: {  	[smem:$0x3FB9] =	sst s0;
	s0 =	simm.s32 @!p1 $0x0  }
0x14: {  	s2 =	sld [smem:$0x3F9D];
	s0 =	simm.s32 @p1 $0x1  }
0x15: {  	[smem:$0x3FBA] =	sst s0;
	s0 =	simm.s32 @!p2 $0x0  }
0x16: {  	s3 =	sld [smem:$0x3FDB];
	s0 =	simm.s32 @p2 $0x1  }
0x17: {  	s4 =	simm.s32 $0x1BF5;
	[smem:$0x3FBC] =	sst s0  }
0x18: {  	s0 =	sld [smem:$0x3F9F];
	_ =	swait.ge [sflag:s4], $0x0  }
0x19: {  	s7 =	sld [smem:$0x3FA0]  }
0x1a: {  	s8 =	sadd.s32 $0xFFFFE003, lr  }
0x1b: {  	s9 =	sadd.s32 $0xFFFFFEF7, lr;
	s5 =	simm.s32 $0xFFFFFFFF;
	p2 =	slt.u32 s8, $0xFFFFF086  }
0x1c: {  	p1 =	slt.u32 s9, $0xF7A;
	s5 =	simm.s32 @!p2 $0x0  }
0x1d: {  	s5 =	simm.s32 @p1 $0x1;
	p0 =	seq.s32 s7, s2  }
0x1e: {  	s7 =	smul.u32 @!p0 $0xF7A, s2;
	p2 =	seq.s32 @!p0 s5, $0x0  }
0x1f: {  	s9 =	smul.u32 $0xF7A, s1;
	s8 =	simm.s32 @!p0 $0x1BF5;
	p2 =	por !p2, p0  }
0x20: {  	[sflag:s8] =	ssyncset.s32 @!p0 $0xFFFFF086;
	s6 =	sadd.s32 @!p0 s3, s7;
	s7 =	simm.s32 @!p0 $0x108  }
0x21: {  	s3 =	sadd.s32 s3, s9;
	s6 =	sadd.s32 @!p0 $0x88, s6;
	s7 =	simm.s32 @p2 $0x1082  }
0x22: {  	[simem:s7], [sflag:s8] =	dma.local @!p0 [hbm:s6], $0xF7A  }
0x23: {  	s9 =	sor.u32 $0xD0000000, s2;
	s6 =	simm.s32 $0x108;
	_ =	swait.ge @!p0 [sflag:s8], $0x0  }
0x24: {  	s3 =	sadd.s32 $0x88, s3;
	s6 =	simm.s32 @!p1 $0x1082;
	[sflag:s4] =	ssyncset.s32 $0xFFFFF086  }
0x25: {  	[simem:s6], [sflag:s4] =	dma.local [hbm:s3], $0xF7A  }
0x26: {  	[smem:$0x3FA0] =	sst s1;
	(tag) =	ssettag s2;
	_ =	strace s9  }
0x27: {  	s1 =	sld [smem:$0x3FB0]  }
0x28: {  	s2 =	sld [smem:$0x3FB1]  }
0x29: {  	s4 =	sld [smem:$0x3FB3]  }
0x2a: {  	p0 =	seq.s32 s5, $0x0;
	s5 =	sld [smem:$0x3FB4]  }
0x2b: {  	s6 =	sld [smem:$0x3FB5]  }
0x2c: {  	s7 =	sld [smem:$0x3FB6]  }
0x2d: {  	s3 =	simm.s32 $0x108;
	s8 =	sld [smem:$0x3FB7]  }
0x2e: {  	s3 =	simm.s32 @!p0 $0x1082;
	s9 =	sld [smem:$0x3FB8]  }
0x2f: {  	lr =	sadd.s32 s0, s3;
	s0 =	sld [smem:$0x3FAF]  }
0x30: {  	s3 =	sld [smem:$0x3FB2]  }
0x31: {  	[smem:$0x3FBB] =	sst s10  }
0x32: {  	s10 =	sld [smem:$0x3FB9];
	_ =	sdelay $0x3  }
0x33: {  	p0 =	seq.s32 s10, $0x1;
	s10 =	sld [smem:$0x3FBB];
	_ =	sdelay $0x3  }
0x34: {  	[smem:$0x3FBB] =	sst s10  }
0x35: {  	s10 =	sld [smem:$0x3FBA];
	_ =	sdelay $0x3  }
0x36: {  	p1 =	seq.s32 s10, $0x1;
	s10 =	sld [smem:$0x3FBB];
	_ =	sdelay $0x3  }
0x37: {  	[smem:$0x3FBB] =	sst s10  }
0x38: {  	s10 =	sld [smem:$0x3FBC]  }
0x39: {  	_ = 	snop;
	(pc) =	sbr.ind lr, $3  }
0x3a: {  	_ = 	snop  }
0x3b: {  	_ = 	snop  }
0x3c: {  	p2 =	seq.s32 s10, $0x1;
	s10 =	sld [smem:$0x3FBB]  }
0x3d: {  	_ =	shalt  }
0x3e: {  	_ =	shalt  }
0x3f: {  	_ =	shalt  }
0x40: {  	_ =	shalt  }
0x41: {  	_ =	shalt  }
0x42: {  	_ =	shalt  }
0x43: {  	_ =	shalt  }
0x44: {  	_ =	shalt  }
0x45: {  	_ =	shalt  }
0x46: {  	_ =	shalt  }
0x47: {  	_ =	shalt  }
0x48: {  	_ =	shalt  }
0x49: {  	_ =	shalt  }
0x4a: {  	_ =	shalt  }
0x4b: {  	_ =	shalt  }
0x4c: {  	_ =	shalt  }
0x4d: {  	_ =	shalt  }
0x4e: {  	_ =	shalt  }
0x4f: {  	_ =	shalt  }
0x50: {  	_ =	shalt  }
0x51: {  	_ =	shalt  }
0x52: {  	_ =	shalt  }
0x53: {  	_ =	shalt  }
0x54: {  	_ =	shalt  }
0x55: {  	_ =	shalt  }
0x56: {  	_ =	shalt  }
0x57: {  	_ =	shalt  }
0x58: {  	_ =	shalt  }
0x59: {  	_ =	shalt  }
0x5a: {  	_ =	shalt  }
0x5b: {  	_ =	shalt  }
0x5c: {  	_ =	shalt  }
0x5d: {  	_ =	shalt  }
0x5e: {  	_ =	shalt  }
0x5f: {  	_ =	shalt  }
0x60: {  	_ =	shalt  }
0x61: {  	_ =	shalt  }
0x62: {  	_ =	shalt  }
0x63: {  	_ =	shalt  }
0x64: {  	_ =	shalt  }
0x65: {  	_ =	shalt  }
0x66: {  	_ =	shalt  }
0x67: {  	_ =	shalt  }
0x68: {  	_ =	shalt  }
0x69: {  	_ =	shalt  }
0x6a: {  	_ =	shalt  }
0x6b: {  	_ =	shalt  }
0x6c: {  	_ =	shalt  }
0x6d: {  	_ =	shalt  }
0x6e: {  	_ =	shalt  }
0x6f: {  	_ =	shalt  }
0x70: {  	_ =	shalt  }
0x71: {  	_ =	shalt  }
0x72: {  	_ =	shalt  }
0x73: {  	_ =	shalt  }
0x74: {  	_ =	shalt  }
0x75: {  	_ =	shalt  }
0x76: {  	_ =	shalt  }
0x77: {  	_ =	shalt  }
0x78: {  	_ =	shalt  }
0x79: {  	_ =	shalt  }
0x7a: {  	_ =	shalt  }
0x7b: {  	_ =	shalt  }
0x7c: {  	_ =	shalt  }
0x7d: {  	_ =	shalt  }
0x7e: {  	_ =	shalt  }
0x7f: {  	_ =	shalt  }
0x80: {  	_ =	shalt  }
0x81: {  	_ =	shalt  }
0x82: {  	_ =	shalt  }
0x83: {  	_ =	shalt  }
0x84: {  	_ =	shalt  }
0x85: {  	_ =	shalt  }
0x86: {  	_ =	shalt  }
0x87: {  	_ =	shalt  }
.Lfunc_end0:
.L_simem_size_0:
called_computation_lowered:
.L_overlay_start_0:
0x88: {  	s2 =	sld [smem:$0x3FD9]  }
0x89: {  	s3 =	sld [smem:$0x3FFE];
	_ =	sdelay $0x1  }
0x8a: {  	s1 =	srdreg.scid  }
0x8b: {  	s0 =	sand.u32 $0x1, s1  }
0x8c: {  	s17 =	sshll.u32 s0, $0xA;
	s2 =	sadd.s32 s3, s2  }
0x8d: {  	s2 =	sadd.s32 s2, s17  }
0x8e: {  	[smem:$0x3FC7] =	sst s2  }
0x8f: {  	_ = 	snop  }
0x90: {  	s2 =	sld [smem:$0x3FC9];
	(tm) =	ssettm $0x1  }
0x91: {  	s18 =	sld [smem:$0x3FFB];
	_ =	sdelay $0x3  }
0x92: {  	_ =	strace s18  }
0x93: {  	s3 =	sld [smem:$0x3FFC];
	_ =	sdelay $0x3  }
0x94: {  	_ =	strace s3  }
0x95: {  	s3 =	sld [smem:$0x3FFD];
	_ =	sdelay $0x3  }
0x96: {  	_ =	strace s3  }
0x97: {  	_ =	strace $0x8FFFFFFF  }
0x98: {  	s19 =	sld [smem:$0x3FDB];
	_ =	sdelay $0x1  }
0x99: {  	s4 =	simm.s32 $_scs_section_size  }
0x9a: {  	s5 =	simm.s32 $_size__tile_overlayer_lowered;
	s6 =	simm.s32 $_tile_overlayer_lowered  }
0x9b: {  	s22 =	simm.s32 $0x1BFF;
	s21 =	sshll.u32 s6, $0x1;
	s3 =	sadd.s32 s4, s19  }
0x9c: {  	s7 =	simm.s32 $0x0;
	s20 =	sshll.u32 s5, $0x1;
	s5 =	sadd.s32 s21, s3  }
0x9d: {  	[timem:s7], [sflag:s22] =	dma.local [hbm:s5], s20  }
0x9e: {  	_ =	swait.ge [sflag:s22], s20  }
0x9f: {  	s4 =	ssub.s32 $0x0, s20;
	[sflag:s22] =	ssyncset.done $0x0  }
0xa0: {  	[sflag:s22] =	ssyncadd.s32 s4;
	_ =	sdelay $0x1  }
0xa1: {  	s23 =	simm.s32 $0x1B8B  }
0xa2: {  	_ =	swait.ge [sflag:s23], $0x1  }
0xa3: {  	[sflag:s23] =	ssyncset.done $0x0  }
0xa4: {  	s25 =	simm.s32 $0x1B8E;
	s24 =	sld [smem:$0x3FFE];
	[sflag:s23] =	ssyncadd.s32 $0xFFFFFFFF  }
0xa5: {  	s26 =	simm.s32 $execute0_lowered;
	[smem:$0x3FD2] =	sst s25  }
0xa6: {  	s5 =	sshll.u32 s26, $0x1;
	_ =	strace $0x80000046;
	[dreg:$0x1] =	wrdreg $0xFFFFFFFF  }
0xa7: {  	s28 =	simm.s32 $_size_execute0_lowered;
	s3 =	sadd.s32 s3, s5;
	[dreg:$0x0] =	wrdreg $0x0  }
0xa8: {  	s5 =	sshll.u32 s28, $0x1;
	[dreg:$0x2] =	wrdreg s3  }
0xa9: {  	[dreg:$0x3] =	wrdreg s5  }
0xaa: {  	[dreg:$0x4] =	wrdreg $0xC0  }
0xab: {  	_ =	task [dreg:s7], $0x5FFFF  }
0xac: {  	[dreg:$0x1] =	wrdreg $0xFFFFFFFF  }
0xad: {  	[dreg:$0x0] =	wrdreg $0x60  }
0xae: {  	[dreg:$0x2] =	wrdreg s2  }
0xaf: {  	[dreg:$0x3] =	wrdreg s24  }
0xb0: {  	[dreg:$0x4] =	wrdreg $0x9  }
0xb1: {  	_ =	task.clear_ibuf [dreg:s7], $0x5FFFF;
	_ =	strace $0x90000046  }
0xb2: {  	s29 =	simm.s32 $0x9;
	_ =	strace $0x80000048  }
0xb3: {  	_ =	swait.ge [sflag:s29], $0x1  }
0xb4: {  	[sflag:s29] =	ssyncadd.s32 $0xFFFFFFFF  }
0xb5: {  	_ =	strace $0x90000048  }
0xb6: {  	_ =	sfence  }
0xb7: {  	s30 =	sld [smem:$0x0];
	_ =	sdelay $0x2  }
0xb8: {  	s31 =	sshll.u32 s1, $0xD;
	s1 =	sshrl.u32 s1, $0x2  }
0xb9: {  	s3 =	sand.u32 $0x4000, s31;
	s1 =	sadd.s32 s1, s30  }
0xba: {  	s0 =	sor.u32 s3, s0;
	s1 =	sshll.u32 s1, $0x11  }
0xbb: {  	s0 =	sor.u32 s1, s0  }
0xbc: {  	s0 =	sadd.s32 $0x8F2B, s0  }
0xbd: {  	[sflag:s0] =	ssyncadd.remote.s32 $0x1  }
0xbe: {  	_ =	sfence.sel $0xFFFF  }
0xbf: {  	[dreg:$0x0] =	wrdreg $0xFFFFFFFF;
	(pc) =	sbr.abs _section_cstart, $3  }
0xc0: {  	[dreg:$0x1] =	wrdreg $0xFFFFFFFF  }
0xc1: {  	_ =	task.clear_ibuf [dreg:s7], $0x2FFFF;
	_ =	strace $0x9FFFFFFF  }
0xc2: {  	(tm) =	ssettm $0x7FFFFFFF  }
0xc3: {  	_ =	shalt  }
tec
execute0_lowered:
.L_overlay_start_1:
0x0: {  	(tag) =	ssettag $0x1  }
0x1: {  	s3 =	rddreg [dreg:$0x0]  }
0x2: {  	s4 =	rddreg [dreg:$0x1]  }
0x3: {  	s0 =	rddreg [dreg:$0x2];
	s2 =	simm.s32 $0x0  }
0x4: {  	s5 =	srdreg.scid;
	s1 =	stileid.u32;
	s10 =	simm.s32 $0x1  }
0x5: {  	v0 =	vimm.s32 $0x76543210;
	v1 =	vimm.s32 $0xFEDCBA98;
	s11 =	simm.s32 $0x10280;
	s12 =	simm.s32 $0x10300;
	s13 =	simm.s32 $0x2  }
0x6: {  	v2 =	vimm.s32 $0xBA98FEDC;
	v3 =	vimm.s32 $0x32107654;
	s14 =	simm.s32 $0x10200;
	s15 =	simm.s32 $0x3;
	s16 =	simm.s32 $0x0  }
0x7: {  	v4 =	vimm.s32 $0xDCFE98BA;
	v5 =	vimm.s32 $0x54761032;
	[smem:$0x7FF] =	sst s2;
	s5 =	sand.u32 $0x1, s5;
	s6 =	sshll.u32 s1, $0x4  }
0x8: {  	v6 =	vimm.s32 $0xEFCDAB89;
	v7 =	vimm.s32 $0x67452301;
	s8 =	sshll.u32 s1, $0x5;
	_ =	strace $0x80000047;
	s7 =	sshll.u32 s5, $0x4  }
0x9: {  	v0 =	vunpack.c.l.s4.s8 v0;
	v1 =	vunpack.c.l.s4.s8 v1;
	v2 =	vunpack.c.l.s4.s8 v2;
	s6 =	sand.u32 $0x70, s6;
	s5 =	ssub.s32 $0x2, s5;
	s7 =	sor.u32 s1, s7  }
0xa: {  	v3 =	vunpack.c.l.s4.s8 v3;
	v4 =	vunpack.c.l.s4.s8 v4;
	v5 =	vunpack.c.l.s4.s8 v5;
	s6 =	sadd.s32 s6, s4;
	s9 =	sshrl.u32 s5, $0x1;
	s28 =	sshll.u32 s7, $0xD  }
0xb: {  	v6 =	vunpack.c.l.s4.s8 v6;
	v7 =	vunpack.c.l.s4.s8 v7;
	v2 =	vunpack.c.0.s8.s32 v2;
	s29 =	sshll.u32 s7, $0x1;
	s9 =	ssub.s32 s5, s9;
	s7 =	sshll.u32 s7, $0x4  }
0xc: {  	v3 =	vunpack.c.0.s8.s32 v3;
	v4 =	vunpack.c.0.s8.s32 v4;
	v5 =	vunpack.c.0.s8.s32 v5;
	s4 =	sor.u32 s28, s8;
	s8 =	sor.u32 $0x41, s29;
	s7 =	sand.u32 $0x180, s7  }
0xd: {  	v1 =	vunpack.c.0.s8.s32 v1;
	v6 =	vunpack.c.0.s8.s32 v6;
	v7 =	vunpack.c.0.s8.s32 v7;
	s4 =	sand.u32 $0x38060, s4;
	s30 =	sshll.u32 s8, $0x4;
	s8 =	sshll.u32 s8, $0xC  }
0xe: {  	v0 =	vunpack.c.0.s8.s32 v0;
	v2 =	vcombine.low v3, v2;
	s31 =	sadd.s32 s7, s6;
	s6 =	smax.u32 s9, $0x1;
	s7 =	simm.s32 $0x80  }
0xf: {  	v3 =	vcombine.low v5, v4;
	v4 =	vcombine.low v7, v6;
	v1 =	vand.u32 $0xF, v1;
	s9 =	simm.s32 $0x8000;
	s4 =	sadd.s32 s4, s3;
	s5 =	sand.u32 $0x70, s30  }
0x10: {  	vm0 =	vcmask $0x308;
	v0 =	vcombine.low v1, v0;
	s8 =	sand.u32 $0x78000, s8;
	v1 =	vand.u32 $0xF, v2;
	s5 =	sadd.s32 s3, s5;
	s3 =	sadd.s32 $0x40000, s4  }
0x11: {  	v2 =	vand.u32 $0xF, v3;
	v3 =	vand.u32 $0xF, v4;
	v4 =	vlaneseq.u32;
	s4 =	sadd.s32 s8, s5;
	s5 =	sadd.s32 $0x200, s31;
	s8 =	simm.s32 $0x400  }
.LBB2_1:
0x12: {  	[tilespmem:s2], [sflag:$0x1] =	stream.strided.gather [hbm4b:s3+s7], $0x8000, s8, s7, $0x38;
	[tilespmem:$0x10380] =	vst v63  }
0x13: {  	_ = 	snop  }
0x14: {  	[tilespmem:s9], [sflag:$0x2] =	stream.strided.gather [hbm4b:s4+s7], $0x8000, s8, s7, $0x38;
	[tilespmem:$0x10380] =	vst v63  }
0x15: {  	_ =	swait.ge [sflag:s10], $0x8000  }
0x16: {  	[sflag:s10] =	ssyncset.done $0x0  }
0x17: {  	v5 =	vimm.f32 $-Inf;
	s17 =	simm.s32 $0x0;
	[sflag:s10] =	ssyncadd.s32 $0xFFFF8000  }
.LBB2_2:
0x18: {  	s18 =	sshll.u32 s17, $0xA  }
0x19: {  	s18 =	sand.u32 $0x3FFFFC00, s18  }
0x1a: {  	v6 =	vmov s18  }
0x1b: {  	v7 =	vimm.f32 $-Inf;
	v8 =	vimm.f32 $-Inf  }
0x1c: {  	v9 =	vimm.f32 $-Inf;
	v10 =	vimm.f32 $-Inf;
	v11 =	vimm.f32 $-Inf  }
0x1d: {  	p0 =	por $0x1, $0x1;
	v12 =	vimm.f32 $-Inf;
	v13 =	vimm.f32 $-Inf;
	v14 =	vimm.f32 $-Inf;
	s18 =	simm.s32 $0x0  }
.LBB2_3:
0x1e: {  	s18 =	sshra.s32 s18, $0x2  }
0x1f: {  	v15 =	vld.idx.msk [tilespmem:v6+s18+$0x0 ss:$0x1], $0xffff  }
0x20: {  	v16 =	vld.idx.msk [tilespmem:v6+s18+$0x10 ss:$0x1], $0xffff  }
0x21: {  	v17 =	vld.idx.msk [tilespmem:v6+s18+$0x20 ss:$0x1], $0xffff  }
0x22: {  	v18 =	vld.idx.msk [tilespmem:v6+s18+$0x30 ss:$0x1], $0xffff  }
0x23: {  	v19 =	vld.idx.msk [tilespmem:v6+s18+$0x40 ss:$0x1], $0xffff  }
0x24: {  	v20 =	vld.idx.msk [tilespmem:v6+s18+$0x50 ss:$0x1], $0xffff  }
0x25: {  	v21 =	vld.idx.msk [tilespmem:v6+s18+$0x60 ss:$0x1], $0xffff  }
0x26: {  	v22 =	vld.idx.msk [tilespmem:v6+s18+$0x70 ss:$0x1], $0xffff  }
0x27: {  	v23 =	vld.idx.msk [tilespmem:v6+s18+$0x80 ss:$0x1], $0xffff  }
0x28: {  	v24 =	vld.idx.msk [tilespmem:v6+s18+$0x90 ss:$0x1], $0xffff  }
0x29: {  	v25 =	vld.idx.msk [tilespmem:v6+s18+$0xA0 ss:$0x1], $0xffff  }
0x2a: {  	v26 =	vld.idx.msk [tilespmem:v6+s18+$0xB0 ss:$0x1], $0xffff  }
0x2b: {  	v27 =	vld.idx.msk [tilespmem:v6+s18+$0xC0 ss:$0x1], $0xffff  }
0x2c: {  	v28 =	vld.idx.msk [tilespmem:v6+s18+$0xD0 ss:$0x1], $0xffff  }
0x2d: {  	v29 =	vld.idx.msk [tilespmem:v6+s18+$0xE0 ss:$0x1], $0xffff  }
0x2e: {  	v30 =	vld.idx.msk [tilespmem:v6+s18+$0xF0 ss:$0x1], $0xffff  }
0x2f: {  	v31 =	vld.idx.msk [tilespmem:v6+s18+$0x100 ss:$0x1], $0xffff  }
0x30: {  	v32 =	vld.idx.msk [tilespmem:v6+s18+$0x110 ss:$0x1], $0xffff  }
0x31: {  	v33 =	vld.idx.msk [tilespmem:v6+s18+$0x120 ss:$0x1], $0xffff  }
0x32: {  	v34 =	vld.idx.msk [tilespmem:v6+s18+$0x130 ss:$0x1], $0xffff  }
0x33: {  	v35 =	vld.idx.msk [tilespmem:v6+s18+$0x140 ss:$0x1], $0xffff  }
0x34: {  	v36 =	vld.idx.msk [tilespmem:v6+s18+$0x150 ss:$0x1], $0xffff  }
0x35: {  	v37 =	vld.idx.msk [tilespmem:v6+s18+$0x160 ss:$0x1], $0xffff  }
0x36: {  	v38 =	vld.idx.msk [tilespmem:v6+s18+$0x170 ss:$0x1], $0xffff  }
0x37: {  	v39 =	vld.idx.msk [tilespmem:v6+s18+$0x180 ss:$0x1], $0xffff  }
0x38: {  	v40 =	vld.idx.msk [tilespmem:v6+s18+$0x190 ss:$0x1], $0xffff  }
0x39: {  	v59 =	vld.idx.msk [tilespmem:v6+s18+$0x1B0 ss:$0x1], $0xffff;
	v14 =	vmax.f32 v14, v15;
	v13 =	vmax.f32 v13, v16  }
0x3a: {  	v60 =	vld.idx.msk [tilespmem:v6+s18+$0x1C0 ss:$0x1], $0xffff;
	v12 =	vmax.f32 v12, v17;
	v11 =	vmax.f32 v11, v18;
	v10 =	vmax.f32 v10, v19  }
0x3b: {  	v61 =	vld.idx.msk [tilespmem:v6+s18+$0x1D0 ss:$0x1], $0xffff;
	v9 =	vmax.f32 v9, v20;
	v8 =	vmax.f32 v8, v21;
	v7 =	vmax.f32 v7, v22  }
0x3c: {  	v62 =	vld.idx.msk [tilespmem:v6+s18+$0x1E0 ss:$0x1], $0xffff;
	v14 =	vmax.f32 v14, v23;
	v13 =	vmax.f32 v13, v24;
	v12 =	vmax.f32 v12, v25  }
0x3d: {  	v63 =	vld.idx.msk [tilespmem:v6+s18+$0x1F0 ss:$0x1], $0xffff;
	v11 =	vmax.f32 v11, v26;
	v10 =	vmax.f32 v10, v27;
	v9 =	vmax.f32 v9, v28  }
0x3e: {  	p1 =	por p0, p0;
	v15 =	vld.idx.msk [tilespmem:v6+s18+$0x1A0 ss:$0x1], $0xffff;
	v8 =	vmax.f32 v8, v29;
	v7 =	vmax.f32 v7, v30;
	v14 =	vmax.f32 v14, v31  }
.Ltmp0:
0x3f: {  	v13 =	vmax.f32 v13, v32;
	v12 =	vmax.f32 v12, v33;
	v11 =	vmax.f32 v11, v34;
	(pc) =	sbr.rel @p1 .LBB2_3-.Ltmp0, $4  }
0x40: {  	v10 =	vmax.f32 v10, v35;
	v9 =	vmax.f32 v9, v36;
	v8 =	vmax.f32 v8, v37  }
0x41: {  	v7 =	vmax.f32 v7, v38;
	v14 =	vmax.f32 v14, v39;
	v13 =	vmax.f32 v13, v40  }
0x42: {  	v11 =	vmax.f32 v11, v59;
	v10 =	vmax.f32 v10, v60;
	v9 =	vmax.f32 v9, v61  }
0x43: {  	p0 =	por $0x0, $0x0;
	s18 =	simm.s32 $0x800;
	v8 =	vmax.f32 v8, v62;
	v7 =	vmax.f32 v7, v63;
	v12 =	vmax.f32 v12, v15  }
0x44: {  	s18 =	sshll.u32 s17, $0x4;
	s17 =	sadd.s32 $0x1, s17  }
0x45: {  	p0 =	sne.s32 s17, $0x20  }
.Ltmp1:
0x46: {  	v6 =	vmax.f32 v14, v13;
	(pc) =	sbr.rel @p0 .LBB2_2-.Ltmp1, $4  }
0x47: {  	v11 =	vmax.f32 v12, v11;
	v9 =	vmax.f32 v10, v9;
	v7 =	vmax.f32 v8, v7  }
0x48: {  	v6 =	vmax.f32 v6, v11;
	v7 =	vmax.f32 v9, v7  }
0x49: {  	s18 =	sand.u32 $0x3FFFFFF0, s18;
	v6 =	vmax.f32 v6, v7  }
0x4a: {  	[tilespmem:s18+$0x10000] =	vst v6;
	v5 =	vmax.f32 v5, v6  }
0x4b: {  	_ =	sdelay $0x2  }
0x4c: {  	[tilespmem:$0x10280] =	vst v5  }
0x4d: {  	v6 =	vld.idx.msk [tilespmem:v0+s11+$0x0], $0xffff;
	_ =	sdelay $0x4  }
0x4e: {  	v5 =	vmax.f32 v5, v6  }
0x4f: {  	[tilespmem:$0x10280] =	vst v5  }
0x50: {  	v6 =	vld.idx.msk [tilespmem:v1+s11+$0x0], $0xffff;
	_ =	sdelay $0x4  }
0x51: {  	v5 =	vmax.f32 v5, v6  }
0x52: {  	[tilespmem:$0x10280] =	vst v5  }
0x53: {  	v6 =	vld.idx.msk [tilespmem:v2+s11+$0x0], $0xffff;
	_ =	sdelay $0x4  }
0x54: {  	v5 =	vmax.f32 v5, v6  }
0x55: {  	[tilespmem:$0x10280] =	vst v5  }
0x56: {  	s17 =	simm.s32 $0x10020;
	v6 =	vld.idx.msk [tilespmem:v3+s11+$0x0], $0xffff  }
0x57: {  	v7 =	vld [tilespmem:s17+$0xFFFFFFE0];
	_ =	sdelay $0x2  }
0x58: {  	s18 =	simm.s32 $0x0;
	v8 =	vimm.s32 $0x7FFFFFFF;
	v9 =	vld [tilespmem:s17+$0xFFFFFFF0]  }
0x59: {  	vm1 =	vlt.s32 v8, s18;
	v5 =	vmax.f32 v5, v6  }
0x5a: {  	v6 =	vnsel vm1, s18, v8;
	vm2 =	veq.f32 v7, v5  }
0x5b: {  	s30 =	simm.s32 $0x1;
	v7 =	vld [tilespmem:s17+$0x0];
	v6 =	vsel vm2, v6, v8  }
0x5c: {  	vm1 =	vlt.s32 v6, s30  }
0x5d: {  	vm2 =	veq.f32 v9, v5;
	v8 =	vnsel vm1, s30, v6  }
0x5e: {  	s31 =	simm.s32 $0x2;
	v8 =	vsel vm2, v8, v6;
	v6 =	vld [tilespmem:s17+$0x10]  }
0x5f: {  	vm1 =	vlt.s32 v8, s31  }
0x60: {  	s18 =	simm.s32 $0x10060;
	vm2 =	veq.f32 v7, v5;
	v9 =	vnsel vm1, s31, v8  }
0x61: {  	s19 =	simm.s32 $0x8;
	s20 =	simm.s32 $0x3;
	s17 =	simm.s32 $0x4;
	v7 =	vld [tilespmem:s18+$0xFFFFFFE0];
	v8 =	vsel vm2, v9, v8  }
.LBB2_6:
0x62: {  	p0 =	slt.u32 s19, $0x1C;
	vm1 =	vlt.s32 v8, s20  }
0x63: {  	vm2 =	veq.f32 v6, v5;
	v6 =	vnsel vm1, s20, v8  }
0x64: {  	v9 =	vld [tilespmem:s18+$0xFFFFFFF0];
	v6 =	vsel vm2, v6, v8  }
0x65: {  	vm1 =	vlt.s32 v6, s17  }
0x66: {  	vm2 =	veq.f32 v7, v5;
	v7 =	vnsel vm1, s17, v6  }
0x67: {  	s20 =	sadd.s32 $0x1, s17;
	v6 =	vsel vm2, v7, v6;
	v7 =	vld [tilespmem:s18+$0x0]  }
0x68: {  	vm1 =	vlt.s32 v6, s20  }
.Ltmp2:
0x69: {  	vm2 =	veq.f32 v9, v5;
	v8 =	vnsel vm1, s20, v6;
	(pc) =	sbr.rel @p0 .LBB2_6-.Ltmp2, $4  }
0x6a: {  	s20 =	sadd.s32 $0x2, s17;
	v8 =	vsel vm2, v8, v6;
	v6 =	vld [tilespmem:s18+$0x10]  }
0x6b: {  	vm1 =	vlt.s32 v8, s20  }
0x6c: {  	s18 =	sadd.s32 $0x40, s18;
	vm2 =	veq.f32 v7, v5;
	v9 =	vnsel vm1, s20, v8  }
0x6d: {  	s20 =	sadd.s32 $0x3, s17;
	s17 =	smov.u32 s19;
	s19 =	sadd.s32 $0x4, s19;
	v7 =	vld [tilespmem:s18+$0xFFFFFFE0];
	v8 =	vsel vm2, v9, v8  }
0x6e: {  	vm1 =	vlt.s32 v8, s20  }
0x6f: {  	vm2 =	veq.f32 v6, v5;
	v6 =	vnsel vm1, s20, v8  }
0x70: {  	v9 =	vld [tilespmem:s18+$0xFFFFFFF0];
	v6 =	vsel vm2, v6, v8  }
0x71: {  	vm1 =	vlt.s32 v6, s17  }
0x72: {  	vm2 =	veq.f32 v7, v5;
	v7 =	vnsel vm1, s17, v6  }
0x73: {  	s19 =	sadd.s32 $0x1, s17;
	v6 =	vsel vm2, v7, v6;
	v7 =	vld [tilespmem:s18+$0x0]  }
0x74: {  	vm1 =	vlt.s32 v6, s19  }
0x75: {  	vm2 =	veq.f32 v9, v5;
	v8 =	vnsel vm1, s19, v6  }
0x76: {  	s21 =	sadd.s32 $0x2, s17;
	v6 =	vsel vm2, v8, v6;
	v8 =	vld [tilespmem:s18+$0x10]  }
0x77: {  	vm1 =	vlt.s32 v6, s21  }
0x78: {  	vm2 =	veq.f32 v7, v5;
	v7 =	vnsel vm1, s21, v6  }
0x79: {  	s22 =	sadd.s32 $0x3, s17;
	v6 =	vsel vm2, v7, v6  }
0x7a: {  	vm1 =	vlt.s32 v6, s22  }
0x7b: {  	vm2 =	veq.f32 v8, v5;
	v5 =	vnsel vm1, s22, v6  }
0x7c: {  	v5 =	vsel vm2, v5, v6  }
0x7d: {  	[tilespmem:$0x10300] =	vst v5  }
0x7e: {  	v6 =	vld.idx.msk [tilespmem:v0+s12+$0x0], $0xffff;
	_ =	sdelay $0x4  }
0x7f: {  	vm1 =	vlt.s32 v5, v6  }
0x80: {  	v5 =	vsel vm1, v5, v6  }
0x81: {  	[tilespmem:$0x10300] =	vst v5  }
0x82: {  	v6 =	vld.idx.msk [tilespmem:v1+s12+$0x0], $0xffff;
	_ =	sdelay $0x4  }
0x83: {  	vm1 =	vlt.s32 v5, v6  }
0x84: {  	v5 =	vsel vm1, v5, v6  }
0x85: {  	[tilespmem:$0x10300] =	vst v5  }
0x86: {  	v6 =	vld.idx.msk [tilespmem:v2+s12+$0x0], $0xffff;
	_ =	sdelay $0x4  }
0x87: {  	vm1 =	vlt.s32 v5, v6  }
0x88: {  	v5 =	vsel vm1, v5, v6  }
0x89: {  	[tilespmem:$0x10300] =	vst v5  }
0x8a: {  	v6 =	vld.idx.msk [tilespmem:v3+s12+$0x0], $0xffff;
	_ =	sdelay $0x4  }
0x8b: {  	vm1 =	vlt.s32 v5, v6  }
0x8c: {  	v5 =	vsel vm1, v5, v6  }
0x8d: {  	(v2sf) =	vpush v5, $0x0;
	_ =	sdelay $0xe  }
0x8e: {  	s17 =	spop (v2sf)  }
0x8f: {  	s24 =	simm.s32 $0x0;
	s23 =	sshll.u32 s17, $0xC  }
0x90: {  	s25 =	sand.u32 $0x380, s24;
	s18 =	sshra.s32 s23, $0x2  }
0x91: {  	s19 =	sand.u32 $0x60, s24;
	s21 =	simm.s32 $0x10;
	s20 =	sadd.s32 s25, s18  }
0x92: {  	s26 =	sand.u32 $0x380, s21;
	s19 =	sadd.s32 s19, s20  }
0x93: {  	s28 =	sand.u32 $0x70, s21;
	s20 =	sadd.s32 s26, s18;
	v6 =	vld [tilespmem:s19+$0x0]  }
0x94: {  	s19 =	sadd.s32 s28, s20  }
0x95: {  	v5 =	vld [tilespmem:s19+$0x0]  }
0x96: {  	s29 =	simm.s32 $0x20;
	s30 =	simm.s32 $0x0;
	s22 =	simm.s32 $0x30  }
0x97: {  	s31 =	sand.u32 $0x380, s29;
	v7 =	vimm.f32 $-Inf;
	s24 =	sand.u32 $0x380, s22;
	s22 =	sand.u32 $0x70, s22  }
0x98: {  	s23 =	sadd.s32 s31, s18;
	s24 =	sadd.s32 s24, s18;
	s20 =	sand.u32 $0x60, s29;
	vm1 =	vgt.f32 v6, v7  }
0x99: {  	s21 =	simm.s32 $0x50;
	v8 =	vimm.s32 $0x0;
	s22 =	sadd.s32 s22, s24;
	s23 =	sadd.s32 s20, s23;
	v7 =	vsel vm1, v6, v7  }
0x9a: {  	s19 =	simm.s32 $0x2;
	s20 =	simm.s32 $0x4;
	v6 =	vld [tilespmem:s23+$0x0];
	v8 =	vsel vm1, s30, v8;
	s23 =	simm.s32 $0x1;
	vm1 =	vgt.f32 v5, v7  }
.LBB2_8:
0x9b: {  	s24 =	sadd.s32 $0xFFFFFFF0, s21;
	p0 =	slt.u32 s20, $0x3E  }
0x9c: {  	v7 =	vsel vm1, v5, v7;
	v5 =	vld [tilespmem:s22+$0x0];
	v8 =	vsel vm1, s23, v8;
	s23 =	smov.u32 s19;
	s19 =	smov.u32 s20;
	s20 =	sadd.s32 $0x2, s20  }
.Ltmp3:
0x9d: {  	s22 =	sand.u32 $0x380, s24;
	(pc) =	sbr.rel @p0 .LBB2_8-.Ltmp3, $4  }
0x9e: {  	s24 =	sand.u32 $0x60, s24;
	s22 =	sadd.s32 s22, s18  }
0x9f: {  	s22 =	sadd.s32 s24, s22;
	s24 =	sand.u32 $0x380, s21;
	vm1 =	vgt.f32 v6, v7  }
0xa0: {  	s25 =	sand.u32 $0x70, s21;
	s24 =	sadd.s32 s24, s18;
	v7 =	vsel vm1, v6, v7;
	v6 =	vld [tilespmem:s22+$0x0];
	v8 =	vsel vm1, s23, v8  }
0xa1: {  	s21 =	sadd.s32 $0x20, s21;
	s23 =	sadd.s32 $0x1, s23;
	s22 =	sadd.s32 s25, s24;
	vm1 =	vgt.f32 v5, v7  }
0xa2: {  	v9 =	vld [tilespmem:s22+$0x0];
	_ =	sdelay $0x1  }
0xa3: {  	v5 =	vsel vm1, v5, v7  }
0xa4: {  	vm2 =	vgt.f32 v6, v5  }
0xa5: {  	v7 =	vsel vm1, s23, v8;
	v5 =	vsel vm2, v6, v5  }
0xa6: {  	s18 =	sadd.s32 $0x1, s19;
	v6 =	vsel vm2, s19, v7;
	vm1 =	vgt.f32 v9, v5  }
0xa7: {  	s17 =	sshll.u32 s17, $0x6;
	v6 =	vsel vm1, s18, v6  }
0xa8: {  	v6 =	vadd.s32 s17, v6  }
0xa9: {  	v5 =	vsel vm1, v9, v5;
	v6 =	vshll.u32 v6, $0x4  }
0xaa: {  	[tilespmem:$0x10280] =	vst v5;
	v6 =	vor.u32 v4, v6  }
0xab: {  	[tilespmem:$0x10300] =	vst v6  }
0xac: {  	v7 =	vld.idx.msk [tilespmem:v0+s11+$0x0], $0xffff  }
0xad: {  	v8 =	vld.idx.msk [tilespmem:v0+s12+$0x0], $0xffff;
	_ =	sdelay $0x4  }
0xae: {  	vm1 =	veq.f32 v7, v5;
	vm2 =	vlt.s32 v8, v6  }
0xaf: {  	vm3 =	vgt.f32 v7, v5;
	vm1 =	vmand vm1, vm2  }
0xb0: {  	vm1 =	vmor vm3, vm1  }
0xb1: {  	v5 =	vsel vm1, v7, v5  }
0xb2: {  	v6 =	vsel vm1, v8, v6;
	[tilespmem:$0x10280] =	vst v5  }
0xb3: {  	[tilespmem:$0x10300] =	vst v6  }
0xb4: {  	v7 =	vld.idx.msk [tilespmem:v1+s11+$0x0], $0xffff  }
0xb5: {  	v8 =	vld.idx.msk [tilespmem:v1+s12+$0x0], $0xffff;
	_ =	sdelay $0x4  }
0xb6: {  	vm1 =	veq.f32 v7, v5;
	vm2 =	vlt.s32 v8, v6  }
0xb7: {  	vm3 =	vgt.f32 v7, v5;
	vm1 =	vmand vm1, vm2  }
0xb8: {  	vm1 =	vmor vm3, vm1  }
0xb9: {  	v5 =	vsel vm1, v7, v5  }
0xba: {  	v6 =	vsel vm1, v8, v6;
	[tilespmem:$0x10280] =	vst v5  }
0xbb: {  	[tilespmem:$0x10300] =	vst v6  }
0xbc: {  	v7 =	vld.idx.msk [tilespmem:v2+s11+$0x0], $0xffff  }
0xbd: {  	v8 =	vld.idx.msk [tilespmem:v2+s12+$0x0], $0xffff;
	_ =	sdelay $0x4  }
0xbe: {  	vm1 =	veq.f32 v7, v5;
	vm2 =	vlt.s32 v8, v6  }
0xbf: {  	vm3 =	vgt.f32 v7, v5;
	vm1 =	vmand vm1, vm2  }
0xc0: {  	vm1 =	vmor vm3, vm1  }
0xc1: {  	v7 =	vsel vm1, v7, v5  }
0xc2: {  	v5 =	vsel vm1, v8, v6;
	[tilespmem:$0x10280] =	vst v7  }
0xc3: {  	[tilespmem:$0x10300] =	vst v5  }
0xc4: {  	v8 =	vld.idx.msk [tilespmem:v3+s11+$0x0], $0xffff  }
0xc5: {  	v6 =	vld.idx.msk [tilespmem:v3+s12+$0x0], $0xffff;
	_ =	swait.ge [sflag:s13], $0x8000  }
0xc6: {  	[sflag:s13] =	ssyncset.done $0x0  }
0xc7: {  	v9 =	vimm.f32 $-Inf;
	s17 =	simm.s32 $0x0;
	[sflag:s13] =	ssyncadd.s32 $0xFFFF8000  }
.LBB2_10:
0xc8: {  	s18 =	sshll.u32 s17, $0xA  }
0xc9: {  	s18 =	sand.u32 $0x3FFFFC00, s18  }
0xca: {  	s18 =	sadd.s32 $0x8000, s18  }
0xcb: {  	v10 =	vmov s18  }
0xcc: {  	v11 =	vimm.f32 $-Inf;
	v12 =	vimm.f32 $-Inf  }
0xcd: {  	v13 =	vimm.f32 $-Inf;
	v14 =	vimm.f32 $-Inf;
	v15 =	vimm.f32 $-Inf  }
0xce: {  	p0 =	por $0x1, $0x1;
	v16 =	vimm.f32 $-Inf;
	v17 =	vimm.f32 $-Inf;
	v18 =	vimm.f32 $-Inf;
	s18 =	simm.s32 $0x0  }
.LBB2_11:
0xcf: {  	s18 =	sshra.s32 s18, $0x2  }
0xd0: {  	v19 =	vld.idx.msk [tilespmem:v10+s18+$0x0 ss:$0x1], $0xffff  }
0xd1: {  	v20 =	vld.idx.msk [tilespmem:v10+s18+$0x10 ss:$0x1], $0xffff  }
0xd2: {  	v21 =	vld.idx.msk [tilespmem:v10+s18+$0x20 ss:$0x1], $0xffff  }
0xd3: {  	v22 =	vld.idx.msk [tilespmem:v10+s18+$0x30 ss:$0x1], $0xffff  }
0xd4: {  	v23 =	vld.idx.msk [tilespmem:v10+s18+$0x40 ss:$0x1], $0xffff  }
0xd5: {  	v24 =	vld.idx.msk [tilespmem:v10+s18+$0x50 ss:$0x1], $0xffff  }
0xd6: {  	v25 =	vld.idx.msk [tilespmem:v10+s18+$0x60 ss:$0x1], $0xffff  }
0xd7: {  	v26 =	vld.idx.msk [tilespmem:v10+s18+$0x70 ss:$0x1], $0xffff  }
0xd8: {  	v27 =	vld.idx.msk [tilespmem:v10+s18+$0x80 ss:$0x1], $0xffff  }
0xd9: {  	v28 =	vld.idx.msk [tilespmem:v10+s18+$0x90 ss:$0x1], $0xffff  }
0xda: {  	v29 =	vld.idx.msk [tilespmem:v10+s18+$0xA0 ss:$0x1], $0xffff  }
0xdb: {  	v30 =	vld.idx.msk [tilespmem:v10+s18+$0xB0 ss:$0x1], $0xffff  }
0xdc: {  	v31 =	vld.idx.msk [tilespmem:v10+s18+$0xC0 ss:$0x1], $0xffff  }
0xdd: {  	v32 =	vld.idx.msk [tilespmem:v10+s18+$0xD0 ss:$0x1], $0xffff  }
0xde: {  	v33 =	vld.idx.msk [tilespmem:v10+s18+$0xE0 ss:$0x1], $0xffff  }
0xdf: {  	v34 =	vld.idx.msk [tilespmem:v10+s18+$0xF0 ss:$0x1], $0xffff  }
0xe0: {  	v35 =	vld.idx.msk [tilespmem:v10+s18+$0x100 ss:$0x1], $0xffff  }
0xe1: {  	v36 =	vld.idx.msk [tilespmem:v10+s18+$0x110 ss:$0x1], $0xffff  }
0xe2: {  	v37 =	vld.idx.msk [tilespmem:v10+s18+$0x120 ss:$0x1], $0xffff  }
0xe3: {  	v38 =	vld.idx.msk [tilespmem:v10+s18+$0x130 ss:$0x1], $0xffff  }
0xe4: {  	v39 =	vld.idx.msk [tilespmem:v10+s18+$0x140 ss:$0x1], $0xffff  }
0xe5: {  	v40 =	vld.idx.msk [tilespmem:v10+s18+$0x150 ss:$0x1], $0xffff  }
0xe6: {  	v41 =	vld.idx.msk [tilespmem:v10+s18+$0x160 ss:$0x1], $0xffff  }
0xe7: {  	v42 =	vld.idx.msk [tilespmem:v10+s18+$0x170 ss:$0x1], $0xffff  }
0xe8: {  	v43 =	vld.idx.msk [tilespmem:v10+s18+$0x180 ss:$0x1], $0xffff  }
0xe9: {  	v44 =	vld.idx.msk [tilespmem:v10+s18+$0x190 ss:$0x1], $0xffff  }
0xea: {  	v60 =	vld.idx.msk [tilespmem:v10+s18+$0x1C0 ss:$0x1], $0xffff;
	v18 =	vmax.f32 v18, v19;
	v17 =	vmax.f32 v17, v20  }
0xeb: {  	v61 =	vld.idx.msk [tilespmem:v10+s18+$0x1D0 ss:$0x1], $0xffff;
	v16 =	vmax.f32 v16, v21;
	v15 =	vmax.f32 v15, v22;
	v14 =	vmax.f32 v14, v23  }
0xec: {  	v62 =	vld.idx.msk [tilespmem:v10+s18+$0x1E0 ss:$0x1], $0xffff;
	v13 =	vmax.f32 v13, v24;
	v12 =	vmax.f32 v12, v25;
	v11 =	vmax.f32 v11, v26  }
0xed: {  	v63 =	vld.idx.msk [tilespmem:v10+s18+$0x1F0 ss:$0x1], $0xffff;
	v18 =	vmax.f32 v18, v27;
	v17 =	vmax.f32 v17, v28;
	v16 =	vmax.f32 v16, v29  }
0xee: {  	v19 =	vld.idx.msk [tilespmem:v10+s18+$0x1A0 ss:$0x1], $0xffff;
	v15 =	vmax.f32 v15, v30;
	v14 =	vmax.f32 v14, v31;
	v13 =	vmax.f32 v13, v32  }
0xef: {  	p1 =	por p0, p0;
	v20 =	vld.idx.msk [tilespmem:v10+s18+$0x1B0 ss:$0x1], $0xffff;
	v12 =	vmax.f32 v12, v33;
	v11 =	vmax.f32 v11, v34;
	v18 =	vmax.f32 v18, v35  }
.Ltmp4:
0xf0: {  	v17 =	vmax.f32 v17, v36;
	v16 =	vmax.f32 v16, v37;
	v15 =	vmax.f32 v15, v38;
	(pc) =	sbr.rel @p1 .LBB2_11-.Ltmp4, $4  }
0xf1: {  	v14 =	vmax.f32 v14, v39;
	v13 =	vmax.f32 v13, v40;
	v12 =	vmax.f32 v12, v41  }
0xf2: {  	v11 =	vmax.f32 v11, v42;
	v18 =	vmax.f32 v18, v43;
	v17 =	vmax.f32 v17, v44  }
0xf3: {  	v14 =	vmax.f32 v14, v60;
	v13 =	vmax.f32 v13, v61;
	v12 =	vmax.f32 v12, v62  }
0xf4: {  	p0 =	por $0x0, $0x0;
	s18 =	simm.s32 $0x800;
	v11 =	vmax.f32 v11, v63;
	v16 =	vmax.f32 v16, v19;
	v15 =	vmax.f32 v15, v20  }
0xf5: {  	s18 =	sshll.u32 s17, $0x4;
	s17 =	sadd.s32 $0x1, s17  }
0xf6: {  	p0 =	sne.s32 s17, $0x20  }
.Ltmp5:
0xf7: {  	v10 =	vmax.f32 v18, v17;
	(pc) =	sbr.rel @p0 .LBB2_10-.Ltmp5, $4  }
0xf8: {  	v15 =	vmax.f32 v16, v15;
	v13 =	vmax.f32 v14, v13;
	v11 =	vmax.f32 v12, v11  }
0xf9: {  	v10 =	vmax.f32 v10, v15;
	v11 =	vmax.f32 v13, v11  }
0xfa: {  	s18 =	sand.u32 $0x3FFFFFF0, s18;
	v10 =	vmax.f32 v10, v11  }
0xfb: {  	[tilespmem:s18+$0x10000] =	vst v10;
	v9 =	vmax.f32 v9, v10  }
0xfc: {  	_ =	sdelay $0x2  }
0xfd: {  	[tilespmem:$0x10280] =	vst v9  }
0xfe: {  	v10 =	vld.idx.msk [tilespmem:v0+s11+$0x0], $0xffff;
	_ =	sdelay $0x4  }
0xff: {  	v9 =	vmax.f32 v9, v10  }
0x100: {  	[tilespmem:$0x10280] =	vst v9  }
0x101: {  	v10 =	vld.idx.msk [tilespmem:v1+s11+$0x0], $0xffff;
	_ =	sdelay $0x4  }
0x102: {  	v9 =	vmax.f32 v9, v10  }
0x103: {  	[tilespmem:$0x10280] =	vst v9  }
0x104: {  	v10 =	vld.idx.msk [tilespmem:v2+s11+$0x0], $0xffff;
	_ =	sdelay $0x4  }
0x105: {  	v9 =	vmax.f32 v9, v10  }
0x106: {  	[tilespmem:$0x10280] =	vst v9  }
0x107: {  	s17 =	simm.s32 $0x10020;
	v10 =	vld.idx.msk [tilespmem:v3+s11+$0x0], $0xffff  }
0x108: {  	v11 =	vld [tilespmem:s17+$0xFFFFFFE0];
	_ =	sdelay $0x2  }
0x109: {  	s18 =	simm.s32 $0x0;
	v12 =	vimm.s32 $0x7FFFFFFF;
	v13 =	vld [tilespmem:s17+$0xFFFFFFF0]  }
0x10a: {  	vm1 =	vlt.s32 v12, s18;
	v9 =	vmax.f32 v9, v10  }
0x10b: {  	v10 =	vnsel vm1, s18, v12;
	vm2 =	veq.f32 v11, v9  }
0x10c: {  	s30 =	simm.s32 $0x1;
	v11 =	vld [tilespmem:s17+$0x0];
	v10 =	vsel vm2, v10, v12  }
0x10d: {  	vm1 =	vlt.s32 v10, s30  }
0x10e: {  	vm2 =	veq.f32 v13, v9;
	v12 =	vnsel vm1, s30, v10  }
0x10f: {  	s31 =	simm.s32 $0x2;
	v12 =	vsel vm2, v12, v10;
	v10 =	vld [tilespmem:s17+$0x10]  }
0x110: {  	vm1 =	vlt.s32 v12, s31  }
0x111: {  	s18 =	simm.s32 $0x10060;
	vm2 =	veq.f32 v11, v9;
	v13 =	vnsel vm1, s31, v12  }
0x112: {  	s19 =	simm.s32 $0x8;
	s20 =	simm.s32 $0x3;
	s17 =	simm.s32 $0x4;
	v11 =	vld [tilespmem:s18+$0xFFFFFFE0];
	v12 =	vsel vm2, v13, v12  }
.LBB2_14:
0x113: {  	p0 =	slt.u32 s19, $0x1C;
	vm1 =	vlt.s32 v12, s20  }
0x114: {  	vm2 =	veq.f32 v10, v9;
	v10 =	vnsel vm1, s20, v12  }
0x115: {  	v13 =	vld [tilespmem:s18+$0xFFFFFFF0];
	v10 =	vsel vm2, v10, v12  }
0x116: {  	vm1 =	vlt.s32 v10, s17  }
0x117: {  	vm2 =	veq.f32 v11, v9;
	v11 =	vnsel vm1, s17, v10  }
0x118: {  	s20 =	sadd.s32 $0x1, s17;
	v10 =	vsel vm2, v11, v10;
	v11 =	vld [tilespmem:s18+$0x0]  }
0x119: {  	vm1 =	vlt.s32 v10, s20  }
.Ltmp6:
0x11a: {  	vm2 =	veq.f32 v13, v9;
	v12 =	vnsel vm1, s20, v10;
	(pc) =	sbr.rel @p0 .LBB2_14-.Ltmp6, $4  }
0x11b: {  	s20 =	sadd.s32 $0x2, s17;
	v12 =	vsel vm2, v12, v10;
	v10 =	vld [tilespmem:s18+$0x10]  }
0x11c: {  	vm1 =	vlt.s32 v12, s20  }
0x11d: {  	s18 =	sadd.s32 $0x40, s18;
	vm2 =	veq.f32 v11, v9;
	v13 =	vnsel vm1, s20, v12  }
0x11e: {  	s20 =	sadd.s32 $0x3, s17;
	s17 =	smov.u32 s19;
	s19 =	sadd.s32 $0x4, s19;
	v11 =	vld [tilespmem:s18+$0xFFFFFFE0];
	v12 =	vsel vm2, v13, v12  }
0x11f: {  	vm1 =	vlt.s32 v12, s20  }
0x120: {  	vm2 =	veq.f32 v10, v9;
	v10 =	vnsel vm1, s20, v12  }
0x121: {  	v13 =	vld [tilespmem:s18+$0xFFFFFFF0];
	v10 =	vsel vm2, v10, v12  }
0x122: {  	vm1 =	vlt.s32 v10, s17  }
0x123: {  	vm2 =	veq.f32 v11, v9;
	v11 =	vnsel vm1, s17, v10  }
0x124: {  	s19 =	sadd.s32 $0x1, s17;
	v10 =	vsel vm2, v11, v10;
	v11 =	vld [tilespmem:s18+$0x0]  }
0x125: {  	vm1 =	vlt.s32 v10, s19  }
0x126: {  	vm2 =	veq.f32 v13, v9;
	v12 =	vnsel vm1, s19, v10  }
0x127: {  	s21 =	sadd.s32 $0x2, s17;
	v10 =	vsel vm2, v12, v10;
	v12 =	vld [tilespmem:s18+$0x10]  }
0x128: {  	vm1 =	vlt.s32 v10, s21  }
0x129: {  	vm2 =	veq.f32 v11, v9;
	v11 =	vnsel vm1, s21, v10  }
0x12a: {  	s22 =	sadd.s32 $0x3, s17;
	v10 =	vsel vm2, v11, v10  }
0x12b: {  	vm1 =	vlt.s32 v10, s22  }
0x12c: {  	vm2 =	veq.f32 v12, v9;
	v9 =	vnsel vm1, s22, v10  }
0x12d: {  	v9 =	vsel vm2, v9, v10  }
0x12e: {  	[tilespmem:$0x10300] =	vst v9  }
0x12f: {  	v10 =	vld.idx.msk [tilespmem:v0+s12+$0x0], $0xffff;
	_ =	sdelay $0x4  }
0x130: {  	vm1 =	vlt.s32 v9, v10  }
0x131: {  	v9 =	vsel vm1, v9, v10  }
0x132: {  	[tilespmem:$0x10300] =	vst v9  }
0x133: {  	v10 =	vld.idx.msk [tilespmem:v1+s12+$0x0], $0xffff;
	_ =	sdelay $0x4  }
0x134: {  	vm1 =	vlt.s32 v9, v10  }
0x135: {  	v9 =	vsel vm1, v9, v10  }
0x136: {  	[tilespmem:$0x10300] =	vst v9  }
0x137: {  	v10 =	vld.idx.msk [tilespmem:v2+s12+$0x0], $0xffff;
	_ =	sdelay $0x4  }
0x138: {  	vm1 =	vlt.s32 v9, v10  }
0x139: {  	v9 =	vsel vm1, v9, v10  }
0x13a: {  	[tilespmem:$0x10300] =	vst v9  }
0x13b: {  	v10 =	vld.idx.msk [tilespmem:v3+s12+$0x0], $0xffff;
	_ =	sdelay $0x4  }
0x13c: {  	vm1 =	vlt.s32 v9, v10  }
0x13d: {  	v9 =	vsel vm1, v9, v10  }
0x13e: {  	(v2sf) =	vpush v9, $0x0;
	_ =	sdelay $0xe  }
0x13f: {  	s17 =	spop (v2sf)  }
0x140: {  	s23 =	sshll.u32 s17, $0xC  }
0x141: {  	s24 =	simm.s32 $0x0;
	s18 =	sshra.s32 s23, $0x2  }
0x142: {  	s25 =	sand.u32 $0x380, s24;
	s18 =	sadd.s32 $0x8000, s18  }
0x143: {  	s19 =	sand.u32 $0x60, s24;
	s21 =	simm.s32 $0x10;
	s20 =	sadd.s32 s25, s18  }
0x144: {  	s26 =	sand.u32 $0x380, s21;
	s19 =	sadd.s32 s19, s20  }
0x145: {  	s28 =	sand.u32 $0x70, s21;
	s20 =	sadd.s32 s26, s18;
	v10 =	vld [tilespmem:s19+$0x0]  }
0x146: {  	s19 =	sadd.s32 s28, s20  }
0x147: {  	v9 =	vld [tilespmem:s19+$0x0]  }
0x148: {  	s29 =	simm.s32 $0x20;
	s30 =	simm.s32 $0x0;
	s22 =	simm.s32 $0x30  }
0x149: {  	s31 =	sand.u32 $0x380, s29;
	v11 =	vimm.f32 $-Inf;
	s24 =	sand.u32 $0x380, s22;
	s22 =	sand.u32 $0x70, s22  }
0x14a: {  	s23 =	sadd.s32 s31, s18;
	s24 =	sadd.s32 s24, s18;
	s20 =	sand.u32 $0x60, s29;
	vm1 =	vgt.f32 v10, v11  }
0x14b: {  	s21 =	simm.s32 $0x50;
	v12 =	vimm.s32 $0x0;
	s22 =	sadd.s32 s22, s24;
	s23 =	sadd.s32 s20, s23;
	v11 =	vsel vm1, v10, v11  }
0x14c: {  	s19 =	simm.s32 $0x2;
	s20 =	simm.s32 $0x4;
	v10 =	vld [tilespmem:s23+$0x0];
	v12 =	vsel vm1, s30, v12;
	s23 =	simm.s32 $0x1;
	vm1 =	vgt.f32 v9, v11  }
.LBB2_16:
0x14d: {  	s24 =	sadd.s32 $0xFFFFFFF0, s21;
	p0 =	slt.u32 s20, $0x3E  }
0x14e: {  	v11 =	vsel vm1, v9, v11;
	v9 =	vld [tilespmem:s22+$0x0];
	v12 =	vsel vm1, s23, v12;
	s23 =	smov.u32 s19;
	s19 =	smov.u32 s20;
	s20 =	sadd.s32 $0x2, s20  }
.Ltmp7:
0x14f: {  	s22 =	sand.u32 $0x380, s24;
	(pc) =	sbr.rel @p0 .LBB2_16-.Ltmp7, $4  }
0x150: {  	s24 =	sand.u32 $0x60, s24;
	s22 =	sadd.s32 s22, s18  }
0x151: {  	s22 =	sadd.s32 s24, s22;
	s24 =	sand.u32 $0x380, s21;
	vm1 =	vgt.f32 v10, v11  }
0x152: {  	s25 =	sand.u32 $0x70, s21;
	s24 =	sadd.s32 s24, s18;
	v11 =	vsel vm1, v10, v11;
	v10 =	vld [tilespmem:s22+$0x0];
	v12 =	vsel vm1, s23, v12  }
0x153: {  	s21 =	sadd.s32 $0x20, s21;
	s23 =	sadd.s32 $0x1, s23;
	s22 =	sadd.s32 s25, s24;
	vm1 =	vgt.f32 v9, v11  }
0x154: {  	v13 =	vld [tilespmem:s22+$0x0];
	_ =	sdelay $0x1  }
0x155: {  	v9 =	vsel vm1, v9, v11  }
0x156: {  	vm2 =	vgt.f32 v10, v9  }
0x157: {  	v54 =	vsel vm1, s23, v12;
	v9 =	vsel vm2, v10, v9  }
0x158: {  	s18 =	sadd.s32 $0x1, s19;
	v55 =	vsel vm2, s19, v54;
	vm1 =	vgt.f32 v13, v9  }
0x159: {  	s17 =	sshll.u32 s17, $0x6;
	v10 =	vsel vm1, s18, v55  }
0x15a: {  	v10 =	vadd.s32 s17, v10  }
0x15b: {  	v9 =	vsel vm1, v13, v9;
	v10 =	vshll.u32 v10, $0x4  }
0x15c: {  	[tilespmem:$0x10280] =	vst v9;
	v10 =	vor.u32 v4, v10  }
0x15d: {  	[tilespmem:$0x10300] =	vst v10  }
0x15e: {  	v56 =	vld.idx.msk [tilespmem:v0+s11+$0x0], $0xffff  }
0x15f: {  	v57 =	vld.idx.msk [tilespmem:v0+s12+$0x0], $0xffff;
	_ =	sdelay $0x4  }
0x160: {  	vm1 =	veq.f32 v56, v9;
	vm2 =	vlt.s32 v57, v10  }
0x161: {  	vm1 =	vmand vm1, vm2;
	vm2 =	vgt.f32 v56, v9  }
0x162: {  	vm1 =	vmor vm2, vm1  }
0x163: {  	v9 =	vsel vm1, v56, v9  }
0x164: {  	v10 =	vsel vm1, v57, v10;
	[tilespmem:$0x10280] =	vst v9  }
0x165: {  	[tilespmem:$0x10300] =	vst v10  }
0x166: {  	v58 =	vld.idx.msk [tilespmem:v1+s11+$0x0], $0xffff  }
0x167: {  	v59 =	vld.idx.msk [tilespmem:v1+s12+$0x0], $0xffff;
	_ =	sdelay $0x4  }
0x168: {  	vm1 =	veq.f32 v58, v9;
	vm2 =	vlt.s32 v59, v10  }
0x169: {  	vm1 =	vmand vm1, vm2;
	vm2 =	vgt.f32 v58, v9  }
0x16a: {  	vm1 =	vmor vm2, vm1  }
0x16b: {  	v9 =	vsel vm1, v58, v9  }
0x16c: {  	v10 =	vsel vm1, v59, v10;
	[tilespmem:$0x10280] =	vst v9  }
0x16d: {  	[tilespmem:$0x10300] =	vst v10  }
0x16e: {  	v60 =	vld.idx.msk [tilespmem:v2+s11+$0x0], $0xffff  }
0x16f: {  	v61 =	vld.idx.msk [tilespmem:v2+s12+$0x0], $0xffff;
	_ =	sdelay $0x4  }
0x170: {  	vm1 =	veq.f32 v60, v9;
	vm2 =	vlt.s32 v61, v10  }
0x171: {  	vm1 =	vmand vm1, vm2;
	vm2 =	vgt.f32 v60, v9  }
0x172: {  	vm1 =	vmor vm2, vm1  }
0x173: {  	v9 =	vsel vm1, v60, v9  }
0x174: {  	v10 =	vsel vm1, v61, v10;
	[tilespmem:$0x10280] =	vst v9  }
0x175: {  	[tilespmem:$0x10300] =	vst v10  }
0x176: {  	v62 =	vld.idx.msk [tilespmem:v3+s11+$0x0], $0xffff  }
0x177: {  	v63 =	vld.idx.msk [tilespmem:v3+s12+$0x0], $0xffff;
	_ =	sdelay $0x3  }
0x178: {  	vm3 =	vlt.s32 v6, v5;
	vm2 =	veq.f32 v8, v7;
	vm1 =	vgt.f32 v8, v7  }
0x179: {  	vm2 =	vmand vm2, vm3;
	vm3 =	veq.f32 v62, v9;
	vm4 =	vlt.s32 v63, v10  }
0x17a: {  	vm1 =	vmor vm1, vm2;
	vm2 =	vmand vm3, vm4;
	vm3 =	vgt.f32 v62, v9  }
0x17b: {  	v5 =	vsel vm1, v6, v5;
	vm1 =	vmmov $0x1;
	vm2 =	vmor vm3, vm2  }
0x17c: {  	s16 =	sadd.s32 $0x1, s16;
	v5 =	vnsel vm1, $0x0, v5;
	v6 =	vsel vm2, v63, v10  }
0x17d: {  	p0 =	sne.s32 s16, s6;
	v5 =	vsel vm0, v5, v6  }
.Ltmp8:
0x17e: {  	[tilespmem:$0x10200] =	vst v5;
	(pc) =	sbr.rel @p0 .LBB2_1-.Ltmp8, $4  }
0x17f: {  	[hbm4b:s5+s2] =	stream.linear.scatter [tilespmem:s14], [sflag:$0x3], $0x80, $0x38;
	[tilespmem:$0x10380] =	vst v63  }
0x180: {  	_ =	swait.ge [sflag:s15], $0x80  }
0x181: {  	[sflag:s15] =	ssyncset.done $0x0  }
0x182: {  	[sflag:s15] =	ssyncadd.s32 $0xFFFFFF80  }
0x183: {  	_ =	sfence.sel $0x180000  }
0x184: {  	[bflag:$0x0] =	sbarrier.arrive $0xFFFF  }
0x185: {  	p0 =	sne.s32 s1, $0x0;
	_ =	strace $0x90000047  }
0x186: {  	s0 =	sadd.s32 @!p0 $0x100000, s0;
	[bflag:$0x2] =	sbarrier.arrive $0xFFFF  }
0x187: {  	[sflag:s0] =	ssyncadd.tile.s32 @!p0 $0x1;
	_ =	shalt  }
.Lfunc_end2:
_tile_overlayer_lowered:
.L_overlay_start_2:
0x188: {  	(tag) =	ssettag $0x2  }
0x189: {  	s0 =	rddreg [dreg:$0x0];
	s2 =	stileid.u32  }
0x18a: {  	s1 =	rddreg [dreg:$0x1];
	p0 =	sne.s32 s2, $0x0  }
0x18b: {  	s3 =	rddreg [dreg:$0x2];
	[bflag:$0x3] =	sbarrier.arrive $0xFFFF;
	s2 =	simm.s32 @!p0 $0x1C03  }
0x18c: {  	[timem:s3], [sflag:s2] =	dma.local @!p0 [hbm:s0], s1  }
0x18d: {  	s0 =	simm.s32 @!p0 $0x3  }
0x18e: {  	_ =	swait.ge @!p0 [sflag:s0], s1  }
0x18f: {  	s1 =	ssub.s32 @!p0 $0x0, s1;
	[sflag:s0] =	ssyncset.done @!p0 $0x0  }
0x190: {  	[sflag:s0] =	ssyncadd.s32 @!p0 s1  }
0x191: {  	[bflag:$0x3] =	sbarrier.arrive $0xFFFF  }
0x192: {  	_ =	shalt  }

</sc_bundles>
